<compile_context>
chip_gen: v7x
topology: tpu7x:2x2x1
jax: 0.10.2.dev20260603
libtpu: 0.0.44.dev20260713+nightly
codegen_flags: <defaults>
</compile_context>

<pallas_src>
import functools

import jax
import jax.numpy as jnp
from jax import lax
from jax.experimental import pallas as pl
from jax.experimental.pallas import tpu as pltpu
from jax.experimental.pallas import tpu_sc as plsc

B = 16
C = 384
NP = 576
K = 8192
BK = 2048
KB = K // BK
N = B * NP


_MIN_NORMAL = 1.1754943508222875e-38


def _argmin_body(cb_ref, x_ref, xsq_ref, csq_ref, idx_ref, minv_ref, mini_ref):
    j = pl.program_id(0)
    b = pl.program_id(1)
    cb = cb_ref[...]
    xb = x_ref[0]
    s = lax.dot_general(cb, xb, (((1,), (1,)), ((), ())),
                        preferred_element_type=jnp.float32)
    d2 = (xsq_ref[0] + csq_ref[...]) - 2.0 * s
    dmin = jnp.maximum(jnp.min(d2, axis=0, keepdims=True), 0.0)
    bmin = jnp.sqrt(dmin)
    u = lax.bitcast_convert_type(
        lax.bitcast_convert_type(bmin, jnp.int32) + 1, jnp.float32)
    uu_bits = lax.bitcast_convert_type(u * u, jnp.int32)
    lim = jnp.full_like(bmin, jnp.inf)
    for k in range(-5, 4):
        cand = lax.bitcast_convert_type(uu_bits + k, jnp.float32)
        ok = jnp.logical_and(jnp.sqrt(cand) >= u, cand < lim)
        lim = jnp.where(ok, cand, lim)
    lim = jnp.where(bmin == 0.0, jnp.float32(_MIN_NORMAL), lim)
    dnext = lax.bitcast_convert_type(
        lax.bitcast_convert_type(dmin, jnp.int32) + 1, jnp.float32)
    lim = jnp.maximum(lim, dnext)
    ids = lax.broadcasted_iota(jnp.int32, d2.shape, 0) + j * BK
    bidx = jnp.min(jnp.where(d2 < lim, ids, jnp.int32(2 ** 30)),
                   axis=0, keepdims=True)
    bminq = bmin.astype(jnp.bfloat16).astype(jnp.float32)

    @pl.when(j == 0)
    def _():
        minv_ref[pl.ds(b, 1), :] = bminq
        mini_ref[pl.ds(b, 1), :] = bidx

    @pl.when(j > 0)
    def _():
        prev = minv_ref[pl.ds(b, 1), :]
        better = bmin < prev
        mini_ref[pl.ds(b, 1), :] = jnp.where(better, bidx,
                                             mini_ref[pl.ds(b, 1), :])
        minv_ref[pl.ds(b, 1), :] = jnp.where(better, bminq, prev)

    @pl.when(j == KB - 1)
    def _():
        idx_ref[...] = jnp.minimum(mini_ref[pl.ds(b, 1), :],
                                   jnp.int32(K - 1)).reshape(1, 1, NP)


def _compute_indices(xr, codebook, xsq, csq):
    return pl.pallas_call(
        _argmin_body,
        grid=(KB, B),
        in_specs=[
            pl.BlockSpec((BK, C), lambda j, b: (j, 0)),
            pl.BlockSpec((1, NP, C), lambda j, b: (b, 0, 0)),
            pl.BlockSpec((1, 1, NP), lambda j, b: (b, 0, 0)),
            pl.BlockSpec((BK, 1), lambda j, b: (j, 0)),
        ],
        out_specs=pl.BlockSpec((1, 1, NP), lambda j, b: (b, 0, 0)),
        out_shape=jax.ShapeDtypeStruct((B, 1, NP), jnp.int32),
        scratch_shapes=[
            pltpu.VMEM((B, NP), jnp.float32),
            pltpu.VMEM((B, NP), jnp.int32),
        ],
        compiler_params=pltpu.CompilerParams(
            dimension_semantics=("arbitrary", "arbitrary")),
    )(codebook, xr, xsq, csq)


NC = 2
NS = 16
NW = NC * NS
BPW = N // NW
CH = 96
NCH = BPW // CH

@functools.cache
def _make_sc_gather():
    mesh = plsc.VectorSubcoreMesh(
        core_axis_name="c", subcore_axis_name="s",
        num_cores=NC, num_subcores=NS)

    @functools.partial(
        pl.kernel,
        out_type=jax.ShapeDtypeStruct((N, C), jnp.float32),
        mesh=mesh,
        scratch_types=[
            pltpu.VMEM((BPW,), jnp.int32),
            pltpu.VMEM((BPW, C), jnp.float32),
            pltpu.SemaphoreType.DMA,
        ],
    )
    def _sc_gather(cb_hbm, idx_hbm, out_hbm, idx_v, rows_v, sem):
        wid = lax.axis_index("s") * NC + lax.axis_index("c")
        base = wid * BPW
        pltpu.sync_copy(idx_hbm.at[pl.ds(base, BPW)], idx_v)
        copies = [
            pltpu.async_copy(cb_hbm.at[idx_v.at[pl.ds(c * CH, CH)]],
                             rows_v.at[pl.ds(c * CH, CH)], sem)
            for c in range(NCH)
        ]
        for cp in copies:
            cp.wait()
        pltpu.sync_copy(rows_v, out_hbm.at[pl.ds(base, BPW)])

    return _sc_gather


def kernel(x, codebook):
    x_flat = jnp.transpose(x, (0, 3, 1, 2)).reshape(N, C)
    xsq = jnp.sum(x_flat * x_flat, axis=1)
    csq = jnp.sum(codebook * codebook, axis=1)
    idx = _compute_indices(x_flat.reshape(B, NP, C), codebook,
                           xsq.reshape(B, 1, NP), csq.reshape(K, 1))
    qflat = _make_sc_gather()(codebook, idx.reshape(N))
    return qflat.reshape(B, NP, C).transpose(0, 2, 1).reshape(B, C, 1, NP)

# --- scband reference (transcript-rebuilt; emitter-appended) ---
"""Pipeline reference for scband-vector-quantizer-21964462751904 (READ-ONLY COPY).

The authoritative reference and input builder live on the scoring server;
editing this copy changes nothing except your own understanding.
"""

import jax, jax.numpy as jnp
import numpy as np


def setup_inputs(seed: int = 0) -> dict:
    key = jax.random.key(seed)
    k1, k2 = jax.random.split(key)
    x = jax.random.normal(k1, (16, 384, 1, 576), dtype=jnp.float32)
    codebook = jax.random.normal(k2, (2 ** 13, 384), dtype=jnp.float32)
    return {"x": x, "codebook": codebook}


def reference(x, codebook):
    batch, channels, window, n_patches = x.shape
    # permute(0,3,1,2) then flatten to (batch*n_patches, channels*window)
    x_flat = jnp.transpose(x, (0, 3, 1, 2)).reshape(batch * n_patches, -1)
    # torch.cdist (p=2 Euclidean) equivalent
    x_sq = jnp.sum(x_flat * x_flat, axis=1, keepdims=True)          # (N, 1)
    c_sq = jnp.sum(codebook * codebook, axis=1)[None, :]             # (1, K)
    d2 = x_sq + c_sq - 2.0 * (x_flat @ codebook.T)
    distances = jnp.sqrt(jnp.maximum(d2, 0.0))
    indices = jnp.argmin(distances, axis=1)
    quantized_flat = jnp.take(codebook, indices, axis=0)
    quantized = quantized_flat.reshape(batch, n_patches, channels, window)
    quantized = jnp.transpose(quantized, (0, 2, 3, 1))
    return quantized

if __name__ == "__main__":
    import jax
    _d = setup_inputs()
    print(jax.jit(kernel)(*tuple(_d.values())))

</pallas_src>

<mosaic_0001>
#map = affine_map<(d0, d1) -> (0, 0)>
#map1 = affine_map<(d0, d1) -> (0)>
module attributes {stable_mosaic.version = 14 : i64} {
  func.func @_sc_gather(%arg0: i32, %arg1: i32, %arg2: memref<8192x384xf32, #tpu.memory_space<hbm>>, %arg3: memref<9216xi32, #tpu.memory_space<hbm>>, %arg4: memref<9216x384xf32, #tpu.memory_space<hbm>>, %arg5: memref<288xi32, #tpu.memory_space<vmem>>, %arg6: memref<288x384xf32, #tpu.memory_space<vmem>>, %arg7: memref<!tpu.dma_semaphore, #tpu.memory_space<semaphore_mem>>) attributes {dimension_semantics = [#tpu.dimension_semantics<core_parallel>, #tpu.dimension_semantics<subcore_parallel>], iteration_bounds = array<i64: 2, 16>, scalar_prefetch = 0 : i64, scratch_operands = 3 : i64, tpu.core_type = #tpu.core_type<sc_vector_subcore>, window_params = [{transform_indices = #map}, {transform_indices = #map1}, {transform_indices = #map}]} {
    %mul3A = arith.constant 2 : i32
    %mul3A_0 = arith.muli %arg1, %mul3A : i32
    %add3A = arith.addi %mul3A_0, %arg0 : i32
    %mul3A_1 = arith.constant 288 : i32
    %mul3A_2 = arith.muli %add3A, %mul3A_1 : i32
    "tpu.region"() ({
      %run_scoped3A = tpu.sem_alloc : memref<!tpu.dma_semaphore, #tpu.memory_space<semaphore_mem>>
      %dma_start3A_49 = tpu.memref_slice %arg3[%mul3A_2] : memref<9216xi32, #tpu.memory_space<hbm>> -> memref<288xi32, #tpu.memory_space<hbm>>
      %dma_start3A_50 = tpu.memref_slice %arg3[%mul3A_2] : memref<9216xi32, #tpu.memory_space<hbm>> -> memref<288xi32, #tpu.memory_space<hbm>>
      tpu.enqueue_dma source(%dma_start3A_50 : memref<288xi32, #tpu.memory_space<hbm>>) target(%arg5 : memref<288xi32, #tpu.memory_space<vmem>>) target_semaphore(%run_scoped3A : memref<!tpu.dma_semaphore, #tpu.memory_space<semaphore_mem>>)
      %dma_wait3A_51 = tpu.memref_slice %arg3[%mul3A_2] : memref<9216xi32, #tpu.memory_space<hbm>> -> memref<288xi32, #tpu.memory_space<hbm>>
      %dma_wait3A_52 = tpu.memref_slice %arg3[%mul3A_2] : memref<9216xi32, #tpu.memory_space<hbm>> -> memref<288xi32, #tpu.memory_space<hbm>>
      tpu.wait_dma2 semaphore(%run_scoped3A : memref<!tpu.dma_semaphore, #tpu.memory_space<semaphore_mem>>) src(%dma_wait3A_52 : memref<288xi32, #tpu.memory_space<hbm>>) dst(%arg5 : memref<288xi32, #tpu.memory_space<vmem>>)
      tpu.yield
    }) : () -> ()
    %dma_start3A = arith.constant 0 : i32
    %dma_start3A_3 = arith.constant 0 : i32
    %dma_start3A_4 = tpu.memref_slice %arg6[%dma_start3A, %dma_start3A_3] : memref<288x384xf32, #tpu.memory_space<vmem>> -> memref<96x384xf32, #tpu.memory_space<vmem>>
    %dma_start3A_5 = arith.constant 0 : i32
    %dma_start3A_6 = tpu.memref_slice %arg5[%dma_start3A_5] : memref<288xi32, #tpu.memory_space<vmem>> -> memref<96xi32, #tpu.memory_space<vmem>>
    %dma_start3A_7 = arith.constant 0 : i32
    %dma_start3A_8 = arith.constant 0 : i32
    %dma_start3A_9 = tpu.memref_slice %arg2[%dma_start3A_7, %dma_start3A_8] : memref<8192x384xf32, #tpu.memory_space<hbm>> -> memref<8192x384xf32, #tpu.memory_space<hbm>>
    tpu.enqueue_indirect_dma source(%dma_start3A_9 : memref<8192x384xf32, #tpu.memory_space<hbm>>) target(%dma_start3A_4 : memref<96x384xf32, #tpu.memory_space<vmem>>) offsets(%dma_start3A_6 : memref<96xi32, #tpu.memory_space<vmem>>) semaphore(%arg7 : memref<!tpu.dma_semaphore, #tpu.memory_space<semaphore_mem>>)
    %dma_start3A_10 = arith.constant 96 : i32
    %dma_start3A_11 = arith.constant 0 : i32
    %dma_start3A_12 = tpu.memref_slice %arg6[%dma_start3A_10, %dma_start3A_11] : memref<288x384xf32, #tpu.memory_space<vmem>> -> memref<96x384xf32, #tpu.memory_space<vmem>>
    %dma_start3A_13 = arith.constant 96 : i32
    %dma_start3A_14 = tpu.memref_slice %arg5[%dma_start3A_13] : memref<288xi32, #tpu.memory_space<vmem>> -> memref<96xi32, #tpu.memory_space<vmem>>
    %dma_start3A_15 = arith.constant 0 : i32
    %dma_start3A_16 = arith.constant 0 : i32
    %dma_start3A_17 = tpu.memref_slice %arg2[%dma_start3A_15, %dma_start3A_16] : memref<8192x384xf32, #tpu.memory_space<hbm>> -> memref<8192x384xf32, #tpu.memory_space<hbm>>
    tpu.enqueue_indirect_dma source(%dma_start3A_17 : memref<8192x384xf32, #tpu.memory_space<hbm>>) target(%dma_start3A_12 : memref<96x384xf32, #tpu.memory_space<vmem>>) offsets(%dma_start3A_14 : memref<96xi32, #tpu.memory_space<vmem>>) semaphore(%arg7 : memref<!tpu.dma_semaphore, #tpu.memory_space<semaphore_mem>>)
    %dma_start3A_18 = arith.constant 192 : i32
    %dma_start3A_19 = arith.constant 0 : i32
    %dma_start3A_20 = tpu.memref_slice %arg6[%dma_start3A_18, %dma_start3A_19] : memref<288x384xf32, #tpu.memory_space<vmem>> -> memref<96x384xf32, #tpu.memory_space<vmem>>
    %dma_start3A_21 = arith.constant 192 : i32
    %dma_start3A_22 = tpu.memref_slice %arg5[%dma_start3A_21] : memref<288xi32, #tpu.memory_space<vmem>> -> memref<96xi32, #tpu.memory_space<vmem>>
    %dma_start3A_23 = arith.constant 0 : i32
    %dma_start3A_24 = arith.constant 0 : i32
    %dma_start3A_25 = tpu.memref_slice %arg2[%dma_start3A_23, %dma_start3A_24] : memref<8192x384xf32, #tpu.memory_space<hbm>> -> memref<8192x384xf32, #tpu.memory_space<hbm>>
    tpu.enqueue_indirect_dma source(%dma_start3A_25 : memref<8192x384xf32, #tpu.memory_space<hbm>>) target(%dma_start3A_20 : memref<96x384xf32, #tpu.memory_space<vmem>>) offsets(%dma_start3A_22 : memref<96xi32, #tpu.memory_space<vmem>>) semaphore(%arg7 : memref<!tpu.dma_semaphore, #tpu.memory_space<semaphore_mem>>)
    %dma_wait3A = arith.constant 0 : i32
    %dma_wait3A_26 = arith.constant 0 : i32
    %dma_wait3A_27 = tpu.memref_slice %arg6[%dma_wait3A, %dma_wait3A_26] : memref<288x384xf32, #tpu.memory_space<vmem>> -> memref<96x384xf32, #tpu.memory_space<vmem>>
    %dma_wait3A_28 = arith.constant 0 : i32
    %dma_wait3A_29 = tpu.memref_slice %arg5[%dma_wait3A_28] : memref<288xi32, #tpu.memory_space<vmem>> -> memref<96xi32, #tpu.memory_space<vmem>>
    %dma_wait3A_30 = arith.constant 0 : i32
    %dma_wait3A_31 = arith.constant 0 : i32
    %dma_wait3A_32 = tpu.memref_slice %arg2[%dma_wait3A_30, %dma_wait3A_31] : memref<8192x384xf32, #tpu.memory_space<hbm>> -> memref<8192x384xf32, #tpu.memory_space<hbm>>
    tpu.wait_indirect_dma semaphore(%arg7 : memref<!tpu.dma_semaphore, #tpu.memory_space<semaphore_mem>>) src(%dma_wait3A_32 : memref<8192x384xf32, #tpu.memory_space<hbm>>) dst(%dma_wait3A_27 : memref<96x384xf32, #tpu.memory_space<vmem>>)
    %dma_wait3A_33 = arith.constant 96 : i32
    %dma_wait3A_34 = arith.constant 0 : i32
    %dma_wait3A_35 = tpu.memref_slice %arg6[%dma_wait3A_33, %dma_wait3A_34] : memref<288x384xf32, #tpu.memory_space<vmem>> -> memref<96x384xf32, #tpu.memory_space<vmem>>
    %dma_wait3A_36 = arith.constant 96 : i32
    %dma_wait3A_37 = tpu.memref_slice %arg5[%dma_wait3A_36] : memref<288xi32, #tpu.memory_space<vmem>> -> memref<96xi32, #tpu.memory_space<vmem>>
    %dma_wait3A_38 = arith.constant 0 : i32
    %dma_wait3A_39 = arith.constant 0 : i32
    %dma_wait3A_40 = tpu.memref_slice %arg2[%dma_wait3A_38, %dma_wait3A_39] : memref<8192x384xf32, #tpu.memory_space<hbm>> -> memref<8192x384xf32, #tpu.memory_space<hbm>>
    tpu.wait_indirect_dma semaphore(%arg7 : memref<!tpu.dma_semaphore, #tpu.memory_space<semaphore_mem>>) src(%dma_wait3A_40 : memref<8192x384xf32, #tpu.memory_space<hbm>>) dst(%dma_wait3A_35 : memref<96x384xf32, #tpu.memory_space<vmem>>)
    %dma_wait3A_41 = arith.constant 192 : i32
    %dma_wait3A_42 = arith.constant 0 : i32
    %dma_wait3A_43 = tpu.memref_slice %arg6[%dma_wait3A_41, %dma_wait3A_42] : memref<288x384xf32, #tpu.memory_space<vmem>> -> memref<96x384xf32, #tpu.memory_space<vmem>>
    %dma_wait3A_44 = arith.constant 192 : i32
    %dma_wait3A_45 = tpu.memref_slice %arg5[%dma_wait3A_44] : memref<288xi32, #tpu.memory_space<vmem>> -> memref<96xi32, #tpu.memory_space<vmem>>
    %dma_wait3A_46 = arith.constant 0 : i32
    %dma_wait3A_47 = arith.constant 0 : i32
    %dma_wait3A_48 = tpu.memref_slice %arg2[%dma_wait3A_46, %dma_wait3A_47] : memref<8192x384xf32, #tpu.memory_space<hbm>> -> memref<8192x384xf32, #tpu.memory_space<hbm>>
    tpu.wait_indirect_dma semaphore(%arg7 : memref<!tpu.dma_semaphore, #tpu.memory_space<semaphore_mem>>) src(%dma_wait3A_48 : memref<8192x384xf32, #tpu.memory_space<hbm>>) dst(%dma_wait3A_43 : memref<96x384xf32, #tpu.memory_space<vmem>>)
    "tpu.region"() ({
      %run_scoped3A = tpu.sem_alloc : memref<!tpu.dma_semaphore, #tpu.memory_space<semaphore_mem>>
      %dma_start3A_49 = arith.constant 0 : i32
      %dma_start3A_50 = tpu.memref_slice %arg4[%mul3A_2, %dma_start3A_49] : memref<9216x384xf32, #tpu.memory_space<hbm>> -> memref<288x384xf32, #tpu.memory_space<hbm>>
      %dma_start3A_51 = arith.constant 0 : i32
      %dma_start3A_52 = tpu.memref_slice %arg4[%mul3A_2, %dma_start3A_51] : memref<9216x384xf32, #tpu.memory_space<hbm>> -> memref<288x384xf32, #tpu.memory_space<hbm>>
      tpu.enqueue_dma source(%arg6 : memref<288x384xf32, #tpu.memory_space<vmem>>) target(%dma_start3A_52 : memref<288x384xf32, #tpu.memory_space<hbm>>) target_semaphore(%run_scoped3A : memref<!tpu.dma_semaphore, #tpu.memory_space<semaphore_mem>>)
      %dma_wait3A_53 = arith.constant 0 : i32
      %dma_wait3A_54 = tpu.memref_slice %arg4[%mul3A_2, %dma_wait3A_53] : memref<9216x384xf32, #tpu.memory_space<hbm>> -> memref<288x384xf32, #tpu.memory_space<hbm>>
      %dma_wait3A_55 = arith.constant 0 : i32
      %dma_wait3A_56 = tpu.memref_slice %arg4[%mul3A_2, %dma_wait3A_55] : memref<9216x384xf32, #tpu.memory_space<hbm>> -> memref<288x384xf32, #tpu.memory_space<hbm>>
      tpu.wait_dma2 semaphore(%run_scoped3A : memref<!tpu.dma_semaphore, #tpu.memory_space<semaphore_mem>>) src(%arg6 : memref<288x384xf32, #tpu.memory_space<vmem>>) dst(%dma_wait3A_56 : memref<288x384xf32, #tpu.memory_space<hbm>>)
      tpu.yield
    }) : () -> ()
    return
  }
}

module attributes {stable_mosaic.version = 14 : i64} {
  func.func @_argmin_body(%arg0: i32, %arg1: i32, %arg2: memref<2048x384xf32, #tpu.memory_space<vmem>>, %arg3: memref<1x576x384xf32, #tpu.memory_space<vmem>>, %arg4: memref<1x1x576xf32, #tpu.memory_space<vmem>>, %arg5: memref<2048x1xf32, #tpu.memory_space<vmem>>, %arg6: memref<1x1x576xi32, #tpu.memory_space<vmem>>, %arg7: memref<16x576xf32, #tpu.memory_space<vmem>>, %arg8: memref<16x576xi32, #tpu.memory_space<vmem>>) attributes {dimension_semantics = [#tpu.dimension_semantics<arbitrary>, #tpu.dimension_semantics<arbitrary>], iteration_bounds = array<i64: 4, 16>, scalar_prefetch = 0 : i64, scratch_operands = 2 : i64, tpu.core_type = #tpu.core_type<tc>, window_params = [{transform_indices = @transform_0, window_bounds = array<i64: 2048, 384>}, {transform_indices = @transform_1, window_bounds = array<i64: 1, 576, 384>}, {transform_indices = @transform_2, window_bounds = array<i64: 1, 1, 576>}, {transform_indices = @transform_3, window_bounds = array<i64: 2048, 1>}, {transform_indices = @transform_4, window_bounds = array<i64: 1, 1, 576>}]} {
    %get3A = arith.constant 0 : index
    %get3A_0 = arith.constant 0 : index
    %get3A_1 = vector.load %arg2[%get3A, %get3A_0] : memref<2048x384xf32, #tpu.memory_space<vmem>>, vector<2048x384xf32>
    %get3A_2 = arith.constant 0 : index
    %get3A_3 = arith.constant 0 : index
    %get3A_4 = arith.constant 0 : index
    %get3A_5 = vector.load %arg3[%get3A_2, %get3A_3, %get3A_4] : memref<1x576x384xf32, #tpu.memory_space<vmem>>, vector<1x576x384xf32>
    %get3A_6 = vector.shape_cast %get3A_5 : vector<1x576x384xf32> to vector<576x384xf32>
    %dot_general3A = arith.constant dense<0.000000e+00> : vector<2048x576xf32>
    %dot_general3A_7 = tpu.matmul %get3A_1, %get3A_6, %dot_general3A {dimension_numbers = #tpu.dot_dimension_numbers<[1], [1], [0], [0], [0, 0, 1, 0], [], []>, transpose_lhs_hint = false} : vector<2048x384xf32>, vector<576x384xf32>, vector<2048x576xf32> -> vector<2048x576xf32>
    %get3A_8 = arith.constant 0 : index
    %get3A_9 = arith.constant 0 : index
    %get3A_10 = arith.constant 0 : index
    %get3A_11 = vector.load %arg4[%get3A_8, %get3A_9, %get3A_10] : memref<1x1x576xf32, #tpu.memory_space<vmem>>, vector<1x1x576xf32>
    %get3A_12 = vector.shape_cast %get3A_11 : vector<1x1x576xf32> to vector<1x576xf32>
    %get3A_13 = arith.constant 0 : index
    %get3A_14 = arith.constant 0 : index
    %get3A_15 = vector.load %arg5[%get3A_13, %get3A_14] : memref<2048x1xf32, #tpu.memory_space<vmem>>, vector<2048x1xf32>
    %add3A = vector.broadcast %get3A_12 : vector<1x576xf32> to vector<2048x576xf32>
    %add3A_16 = vector.broadcast %get3A_15 : vector<2048x1xf32> to vector<2048x576xf32>
    %add3A_17 = arith.addf %add3A, %add3A_16 : vector<2048x576xf32>
    %mul3A = arith.constant 2.000000e+00 : f32
    %mul3A_18 = vector.broadcast %mul3A : f32 to vector<2048x576xf32>
    %mul3A_19 = arith.mulf %mul3A_18, %dot_general3A_7 : vector<2048x576xf32>
    %sub3A = arith.subf %add3A_17, %mul3A_19 : vector<2048x576xf32>
    %reduce_min3A = arith.constant dense<0x7F800000> : vector<576xf32>
    %reduce_min3A_20 = vector.multi_reduction <minimumf>, %sub3A, %reduce_min3A [0] : vector<2048x576xf32> to vector<576xf32>
    %broadcast_in_dim3A = vector.shape_cast %reduce_min3A_20 : vector<576xf32> to vector<1x576xf32>
    %max3A = arith.constant 0.000000e+00 : f32
    %max3A_21 = vector.broadcast %max3A : f32 to vector<1x576xf32>
    %max3A_22 = arith.maximumf %broadcast_in_dim3A, %max3A_21 : vector<1x576xf32>
    %sqrt3A = math.sqrt %max3A_22 : vector<1x576xf32>
    %bitcast_convert_type3A = tpu.bitcast %sqrt3A : vector<1x576xf32> -> vector<1x576xi32>
    %add3A_23 = arith.constant 1 : i32
    %add3A_24 = vector.broadcast %add3A_23 : i32 to vector<1x576xi32>
    %add3A_25 = arith.addi %bitcast_convert_type3A, %add3A_24 : vector<1x576xi32>
    %bitcast_convert_type3A_26 = tpu.bitcast %add3A_25 : vector<1x576xi32> -> vector<1x576xf32>
    %mul3A_27 = arith.mulf %bitcast_convert_type3A_26, %bitcast_convert_type3A_26 : vector<1x576xf32>
    %bitcast_convert_type3A_28 = tpu.bitcast %mul3A_27 : vector<1x576xf32> -> vector<1x576xi32>
    %broadcast_in_dim3A_29 = arith.constant 0x7F800000 : f32
    %broadcast_in_dim3A_30 = vector.broadcast %broadcast_in_dim3A_29 : f32 to vector<1x576xf32>
    %add3A_31 = arith.constant -5 : i32
    %add3A_32 = vector.broadcast %add3A_31 : i32 to vector<1x576xi32>
    %add3A_33 = arith.addi %bitcast_convert_type3A_28, %add3A_32 : vector<1x576xi32>
    %bitcast_convert_type3A_34 = tpu.bitcast %add3A_33 : vector<1x576xi32> -> vector<1x576xf32>
    %sqrt3A_35 = math.sqrt %bitcast_convert_type3A_34 : vector<1x576xf32>
    %ge3A = arith.cmpf oge, %sqrt3A_35, %bitcast_convert_type3A_26 : vector<1x576xf32>
    %lt3A = arith.cmpf olt, %bitcast_convert_type3A_34, %broadcast_in_dim3A_30 : vector<1x576xf32>
    %and3A = arith.andi %ge3A, %lt3A : vector<1x576xi1>
    %select_n3A = arith.select %and3A, %bitcast_convert_type3A_34, %broadcast_in_dim3A_30 : vector<1x576xi1>, vector<1x576xf32>
    %add3A_36 = arith.constant -4 : i32
    %add3A_37 = vector.broadcast %add3A_36 : i32 to vector<1x576xi32>
    %add3A_38 = arith.addi %bitcast_convert_type3A_28, %add3A_37 : vector<1x576xi32>
    %bitcast_convert_type3A_39 = tpu.bitcast %add3A_38 : vector<1x576xi32> -> vector<1x576xf32>
    %sqrt3A_40 = math.sqrt %bitcast_convert_type3A_39 : vector<1x576xf32>
    %ge3A_41 = arith.cmpf oge, %sqrt3A_40, %bitcast_convert_type3A_26 : vector<1x576xf32>
    %lt3A_42 = arith.cmpf olt, %bitcast_convert_type3A_39, %select_n3A : vector<1x576xf32>
    %and3A_43 = arith.andi %ge3A_41, %lt3A_42 : vector<1x576xi1>
    %select_n3A_44 = arith.select %and3A_43, %bitcast_convert_type3A_39, %select_n3A : vector<1x576xi1>, vector<1x576xf32>
    %add3A_45 = arith.constant -3 : i32
    %add3A_46 = vector.broadcast %add3A_45 : i32 to vector<1x576xi32>
    %add3A_47 = arith.addi %bitcast_convert_type3A_28, %add3A_46 : vector<1x576xi32>
    %bitcast_convert_type3A_48 = tpu.bitcast %add3A_47 : vector<1x576xi32> -> vector<1x576xf32>
    %sqrt3A_49 = math.sqrt %bitcast_convert_type3A_48 : vector<1x576xf32>
    %ge3A_50 = arith.cmpf oge, %sqrt3A_49, %bitcast_convert_type3A_26 : vector<1x576xf32>
    %lt3A_51 = arith.cmpf olt, %bitcast_convert_type3A_48, %select_n3A_44 : vector<1x576xf32>
    %and3A_52 = arith.andi %ge3A_50, %lt3A_51 : vector<1x576xi1>
    %select_n3A_53 = arith.select %and3A_52, %bitcast_convert_type3A_48, %select_n3A_44 : vector<1x576xi1>, vector<1x576xf32>
    %add3A_54 = arith.constant -2 : i32
    %add3A_55 = vector.broadcast %add3A_54 : i32 to vector<1x576xi32>
    %add3A_56 = arith.addi %bitcast_convert_type3A_28, %add3A_55 : vector<1x576xi32>
    %bitcast_convert_type3A_57 = tpu.bitcast %add3A_56 : vector<1x576xi32> -> vector<1x576xf32>
    %sqrt3A_58 = math.sqrt %bitcast_convert_type3A_57 : vector<1x576xf32>
    %ge3A_59 = arith.cmpf oge, %sqrt3A_58, %bitcast_convert_type3A_26 : vector<1x576xf32>
    %lt3A_60 = arith.cmpf olt, %bitcast_convert_type3A_57, %select_n3A_53 : vector<1x576xf32>
    %and3A_61 = arith.andi %ge3A_59, %lt3A_60 : vector<1x576xi1>
    %select_n3A_62 = arith.select %and3A_61, %bitcast_convert_type3A_57, %select_n3A_53 : vector<1x576xi1>, vector<1x576xf32>
    %add3A_63 = arith.constant -1 : i32
    %add3A_64 = vector.broadcast %add3A_63 : i32 to vector<1x576xi32>
    %add3A_65 = arith.addi %bitcast_convert_type3A_28, %add3A_64 : vector<1x576xi32>
    %bitcast_convert_type3A_66 = tpu.bitcast %add3A_65 : vector<1x576xi32> -> vector<1x576xf32>
    %sqrt3A_67 = math.sqrt %bitcast_convert_type3A_66 : vector<1x576xf32>
    %ge3A_68 = arith.cmpf oge, %sqrt3A_67, %bitcast_convert_type3A_26 : vector<1x576xf32>
    %lt3A_69 = arith.cmpf olt, %bitcast_convert_type3A_66, %select_n3A_62 : vector<1x576xf32>
    %and3A_70 = arith.andi %ge3A_68, %lt3A_69 : vector<1x576xi1>
    %select_n3A_71 = arith.select %and3A_70, %bitcast_convert_type3A_66, %select_n3A_62 : vector<1x576xi1>, vector<1x576xf32>
    %add3A_72 = arith.constant 0 : i32
    %add3A_73 = vector.broadcast %add3A_72 : i32 to vector<1x576xi32>
    %add3A_74 = arith.addi %bitcast_convert_type3A_28, %add3A_73 : vector<1x576xi32>
    %bitcast_convert_type3A_75 = tpu.bitcast %add3A_74 : vector<1x576xi32> -> vector<1x576xf32>
    %sqrt3A_76 = math.sqrt %bitcast_convert_type3A_75 : vector<1x576xf32>
    %ge3A_77 = arith.cmpf oge, %sqrt3A_76, %bitcast_convert_type3A_26 : vector<1x576xf32>
    %lt3A_78 = arith.cmpf olt, %bitcast_convert_type3A_75, %select_n3A_71 : vector<1x576xf32>
    %and3A_79 = arith.andi %ge3A_77, %lt3A_78 : vector<1x576xi1>
    %select_n3A_80 = arith.select %and3A_79, %bitcast_convert_type3A_75, %select_n3A_71 : vector<1x576xi1>, vector<1x576xf32>
    %add3A_81 = arith.constant 1 : i32
    %add3A_82 = vector.broadcast %add3A_81 : i32 to vector<1x576xi32>
    %add3A_83 = arith.addi %bitcast_convert_type3A_28, %add3A_82 : vector<1x576xi32>
    %bitcast_convert_type3A_84 = tpu.bitcast %add3A_83 : vector<1x576xi32> -> vector<1x576xf32>
    %sqrt3A_85 = math.sqrt %bitcast_convert_type3A_84 : vector<1x576xf32>
    %ge3A_86 = arith.cmpf oge, %sqrt3A_85, %bitcast_convert_type3A_26 : vector<1x576xf32>
    %lt3A_87 = arith.cmpf olt, %bitcast_convert_type3A_84, %select_n3A_80 : vector<1x576xf32>
    %and3A_88 = arith.andi %ge3A_86, %lt3A_87 : vector<1x576xi1>
    %select_n3A_89 = arith.select %and3A_88, %bitcast_convert_type3A_84, %select_n3A_80 : vector<1x576xi1>, vector<1x576xf32>
    %add3A_90 = arith.constant 2 : i32
    %add3A_91 = vector.broadcast %add3A_90 : i32 to vector<1x576xi32>
    %add3A_92 = arith.addi %bitcast_convert_type3A_28, %add3A_91 : vector<1x576xi32>
    %bitcast_convert_type3A_93 = tpu.bitcast %add3A_92 : vector<1x576xi32> -> vector<1x576xf32>
    %sqrt3A_94 = math.sqrt %bitcast_convert_type3A_93 : vector<1x576xf32>
    %ge3A_95 = arith.cmpf oge, %sqrt3A_94, %bitcast_convert_type3A_26 : vector<1x576xf32>
    %lt3A_96 = arith.cmpf olt, %bitcast_convert_type3A_93, %select_n3A_89 : vector<1x576xf32>
    %and3A_97 = arith.andi %ge3A_95, %lt3A_96 : vector<1x576xi1>
    %select_n3A_98 = arith.select %and3A_97, %bitcast_convert_type3A_93, %select_n3A_89 : vector<1x576xi1>, vector<1x576xf32>
    %add3A_99 = arith.constant 3 : i32
    %add3A_100 = vector.broadcast %add3A_99 : i32 to vector<1x576xi32>
    %add3A_101 = arith.addi %bitcast_convert_type3A_28, %add3A_100 : vector<1x576xi32>
    %bitcast_convert_type3A_102 = tpu.bitcast %add3A_101 : vector<1x576xi32> -> vector<1x576xf32>
    %sqrt3A_103 = math.sqrt %bitcast_convert_type3A_102 : vector<1x576xf32>
    %ge3A_104 = arith.cmpf oge, %sqrt3A_103, %bitcast_convert_type3A_26 : vector<1x576xf32>
    %lt3A_105 = arith.cmpf olt, %bitcast_convert_type3A_102, %select_n3A_98 : vector<1x576xf32>
    %and3A_106 = arith.andi %ge3A_104, %lt3A_105 : vector<1x576xi1>
    %select_n3A_107 = arith.select %and3A_106, %bitcast_convert_type3A_102, %select_n3A_98 : vector<1x576xi1>, vector<1x576xf32>
    %eq3A = arith.constant 0.000000e+00 : f32
    %eq3A_108 = vector.broadcast %eq3A : f32 to vector<1x576xf32>
    %eq3A_109 = arith.cmpf oeq, %sqrt3A, %eq3A_108 : vector<1x576xf32>
    %jit3A = arith.constant 1.17549435E-38 : f32
    %broadcast_in_dim3A_110 = vector.broadcast %jit3A : f32 to vector<1x576xf32>
    %select_n3A_111 = arith.select %eq3A_109, %broadcast_in_dim3A_110, %select_n3A_107 : vector<1x576xi1>, vector<1x576xf32>
    %bitcast_convert_type3A_112 = tpu.bitcast %max3A_22 : vector<1x576xf32> -> vector<1x576xi32>
    %add3A_113 = arith.constant 1 : i32
    %add3A_114 = vector.broadcast %add3A_113 : i32 to vector<1x576xi32>
    %add3A_115 = arith.addi %bitcast_convert_type3A_112, %add3A_114 : vector<1x576xi32>
    %bitcast_convert_type3A_116 = tpu.bitcast %add3A_115 : vector<1x576xi32> -> vector<1x576xf32>
    %max3A_117 = arith.maximumf %select_n3A_111, %bitcast_convert_type3A_116 : vector<1x576xf32>
    %iota3A = tpu.iota {dimensions = array<i32: 0>} : vector<2048x576xi32>
    %mul3A_118 = arith.constant 2048 : i32
    %mul3A_119 = arith.muli %arg0, %mul3A_118 : i32
    %add3A_120 = vector.broadcast %mul3A_119 : i32 to vector<2048x576xi32>
    %add3A_121 = arith.addi %iota3A, %add3A_120 : vector<2048x576xi32>
    %lt3A_122 = vector.broadcast %max3A_117 : vector<1x576xf32> to vector<2048x576xf32>
    %lt3A_123 = arith.cmpf olt, %sub3A, %lt3A_122 : vector<2048x576xf32>
    %jit3A_124 = arith.constant 1073741824 : i32
    %broadcast_in_dim3A_125 = vector.broadcast %jit3A_124 : i32 to vector<2048x576xi32>
    %select_n3A_126 = arith.select %lt3A_123, %add3A_121, %broadcast_in_dim3A_125 : vector<2048x576xi1>, vector<2048x576xi32>
    %reduce_min3A_127 = arith.constant dense<2147483647> : vector<576xi32>
    %reduce_min3A_128 = vector.multi_reduction <minsi>, %select_n3A_126, %reduce_min3A_127 [0] : vector<2048x576xi32> to vector<576xi32>
    %broadcast_in_dim3A_129 = vector.shape_cast %reduce_min3A_128 : vector<576xi32> to vector<1x576xi32>
    %convert_element_type3A = arith.truncf %sqrt3A : vector<1x576xf32> to vector<1x576xbf16>
    %convert_element_type3A_130 = arith.extf %convert_element_type3A : vector<1x576xbf16> to vector<1x576xf32>
    %eq3A_131 = arith.constant 0 : i32
    %eq3A_132 = arith.cmpi eq, %arg0, %eq3A_131 : i32
    %convert_element_type3A_133 = arith.extui %eq3A_132 : i1 to i32
    %cond3A = arith.constant 0 : i32
    %cond3A_134 = arith.cmpi ne, %convert_element_type3A_133, %cond3A : i32
    scf.if %cond3A_134 {
      %swap3A = arith.index_cast %arg1 : i32 to index
      %swap3A_144 = arith.constant 0 : index
      %swap3A_145 = vector.load %arg7[%swap3A, %swap3A_144] : memref<16x576xf32, #tpu.memory_space<vmem>>, vector<1x576xf32>
      tpu.vector_store %arg7[%swap3A, %swap3A_144], %convert_element_type3A_130 {strides = array<i32>} : memref<16x576xf32, #tpu.memory_space<vmem>>, vector<1x576xf32>,
      %swap3A_146 = arith.index_cast %arg1 : i32 to index
      %swap3A_147 = arith.constant 0 : index
      %swap3A_148 = vector.load %arg8[%swap3A_146, %swap3A_147] : memref<16x576xi32, #tpu.memory_space<vmem>>, vector<1x576xi32>
      tpu.vector_store %arg8[%swap3A_146, %swap3A_147], %broadcast_in_dim3A_129 {strides = array<i32>} : memref<16x576xi32, #tpu.memory_space<vmem>>, vector<1x576xi32>,
    } else {
    }
    %gt3A = arith.constant 0 : i32
    %gt3A_135 = arith.cmpi sgt, %arg0, %gt3A : i32
    %convert_element_type3A_136 = arith.extui %gt3A_135 : i1 to i32
    %cond3A_137 = arith.constant 0 : i32
    %cond3A_138 = arith.cmpi ne, %convert_element_type3A_136, %cond3A_137 : i32
    scf.if %cond3A_138 {
      %get3A_144 = arith.index_cast %arg1 : i32 to index
      %get3A_145 = arith.constant 0 : index
      %get3A_146 = vector.load %arg7[%get3A_144, %get3A_145] : memref<16x576xf32, #tpu.memory_space<vmem>>, vector<1x576xf32>
      %lt3A_147 = arith.cmpf olt, %sqrt3A, %get3A_146 : vector<1x576xf32>
      %get3A_148 = arith.index_cast %arg1 : i32 to index
      %get3A_149 = arith.constant 0 : index
      %get3A_150 = vector.load %arg8[%get3A_148, %get3A_149] : memref<16x576xi32, #tpu.memory_space<vmem>>, vector<1x576xi32>
      %select_n3A_151 = arith.select %lt3A_147, %broadcast_in_dim3A_129, %get3A_150 : vector<1x576xi1>, vector<1x576xi32>
      %swap3A = arith.index_cast %arg1 : i32 to index
      %swap3A_152 = arith.constant 0 : index
      %swap3A_153 = vector.load %arg8[%swap3A, %swap3A_152] : memref<16x576xi32, #tpu.memory_space<vmem>>, vector<1x576xi32>
      tpu.vector_store %arg8[%swap3A, %swap3A_152], %select_n3A_151 {strides = array<i32>} : memref<16x576xi32, #tpu.memory_space<vmem>>, vector<1x576xi32>,
      %select_n3A_154 = arith.select %lt3A_147, %convert_element_type3A_130, %get3A_146 : vector<1x576xi1>, vector<1x576xf32>
      %swap3A_155 = arith.index_cast %arg1 : i32 to index
      %swap3A_156 = arith.constant 0 : index
      %swap3A_157 = vector.load %arg7[%swap3A_155, %swap3A_156] : memref<16x576xf32, #tpu.memory_space<vmem>>, vector<1x576xf32>
      tpu.vector_store %arg7[%swap3A_155, %swap3A_156], %select_n3A_154 {strides = array<i32>} : memref<16x576xf32, #tpu.memory_space<vmem>>, vector<1x576xf32>,
    } else {
    }
    %eq3A_139 = arith.constant 3 : i32
    %eq3A_140 = arith.cmpi eq, %arg0, %eq3A_139 : i32
    %convert_element_type3A_141 = arith.extui %eq3A_140 : i1 to i32
    %cond3A_142 = arith.constant 0 : i32
    %cond3A_143 = arith.cmpi ne, %convert_element_type3A_141, %cond3A_142 : i32
    scf.if %cond3A_143 {
      %get3A_144 = arith.index_cast %arg1 : i32 to index
      %get3A_145 = arith.constant 0 : index
      %get3A_146 = vector.load %arg8[%get3A_144, %get3A_145] : memref<16x576xi32, #tpu.memory_space<vmem>>, vector<1x576xi32>
      %min3A = arith.constant 8191 : i32
      %min3A_147 = vector.broadcast %min3A : i32 to vector<1x576xi32>
      %min3A_148 = arith.minsi %get3A_146, %min3A_147 : vector<1x576xi32>
      %reshape3A = vector.shape_cast %min3A_148 : vector<1x576xi32> to vector<1x1x576xi32>
      %swap3A = arith.constant 0 : index
      %swap3A_149 = arith.constant 0 : index
      %swap3A_150 = arith.constant 0 : index
      %swap3A_151 = vector.load %arg6[%swap3A, %swap3A_149, %swap3A_150] : memref<1x1x576xi32, #tpu.memory_space<vmem>>, vector<1x1x576xi32>
      tpu.vector_store %arg6[%swap3A, %swap3A_149, %swap3A_150], %reshape3A {strides = array<i32>} : memref<1x1x576xi32, #tpu.memory_space<vmem>>, vector<1x1x576xi32>,
    } else {
    }
    return
  }
  func.func @transform_0(%arg0: i32, %arg1: i32) -> (i32, i32) {
    %c0_i32 = arith.constant 0 : i32
    %c0_i32_0 = arith.constant 0 : i32
    return %arg0, %c0_i32 : i32, i32
  }
  func.func @transform_1(%arg0: i32, %arg1: i32) -> (i32, i32, i32) {
    %c0_i32 = arith.constant 0 : i32
    %c0_i32_0 = arith.constant 0 : i32
    %c0_i32_1 = arith.constant 0 : i32
    return %arg1, %c0_i32, %c0_i32_0 : i32, i32, i32
  }
  func.func @transform_2(%arg0: i32, %arg1: i32) -> (i32, i32, i32) {
    %c0_i32 = arith.constant 0 : i32
    %c0_i32_0 = arith.constant 0 : i32
    %c0_i32_1 = arith.constant 0 : i32
    return %arg1, %c0_i32, %c0_i32_0 : i32, i32, i32
  }
  func.func @transform_3(%arg0: i32, %arg1: i32) -> (i32, i32) {
    %c0_i32 = arith.constant 0 : i32
    %c0_i32_0 = arith.constant 0 : i32
    return %arg0, %c0_i32 : i32, i32
  }
  func.func @transform_4(%arg0: i32, %arg1: i32) -> (i32, i32, i32) {
    %c0_i32 = arith.constant 0 : i32
    %c0_i32_0 = arith.constant 0 : i32
    %c0_i32_1 = arith.constant 0 : i32
    return %arg1, %c0_i32, %c0_i32_0 : i32, i32, i32
  }
}

</mosaic_0001>

<sc_bundles>
// kernel: kernel.4.cloned.1.call-start
scs
__scs_entry_jumppad:
0x0: {  	(pc) =	sbr.rel $0x88, $3  }
0x1: {  	(tag) =	ssettag $0x0;
	lr =	simm.s32 $0x1  }
0x2: {  	[smem:$0x3F9F] =	sst lr;
	_ =	strace $0xD0000000  }
0x3: {  	_ = 	snop  }
0x4: {  	_ = 	snop  }
0x5: {  	_ = 	snop  }
0x6: {  	_ = 	snop  }
0x7: {  	_ = 	snop  }
__scs_overlays_trampoline_lowered:
0x8: {  	[smem:$0x3FAE] =	sst s0  }
0x9: {  	[smem:$0x3FAF] =	sst s1  }
0xa: {  	[smem:$0x3FB0] =	sst s2  }
0xb: {  	[smem:$0x3FB1] =	sst s3  }
0xc: {  	[smem:$0x3FB2] =	sst s4  }
0xd: {  	[smem:$0x3FB3] =	sst s5  }
0xe: {  	[smem:$0x3FB4] =	sst s6  }
0xf: {  	[smem:$0x3FB5] =	sst s7  }
0x10: {  	[smem:$0x3FB6] =	sst s8  }
0x11: {  	[smem:$0x3FB7] =	sst s9;
	s0 =	simm.s32 @!p0 $0x0  }
0x12: {  	s1 =	sld [smem:$0x3F9D];
	s0 =	simm.s32 @p0 $0x1  }
0x13: {  	[smem:$0x3FB8] =	sst s0;
	s0 =	simm.s32 @!p1 $0x0  }
0x14: {  	s2 =	sld [smem:$0x3F9C];
	s0 =	simm.s32 @p1 $0x1  }
0x15: {  	[smem:$0x3FB9] =	sst s0;
	s0 =	simm.s32 @!p2 $0x0  }
0x16: {  	s3 =	sld [smem:$0x3FDB];
	s0 =	simm.s32 @p2 $0x1  }
0x17: {  	s4 =	simm.s32 $0x1BF5;
	[smem:$0x3FBB] =	sst s0  }
0x18: {  	s0 =	sld [smem:$0x3F9E];
	_ =	swait.ge [sflag:s4], $0x0  }
0x19: {  	s7 =	sld [smem:$0x3F9F]  }
0x1a: {  	s8 =	sadd.s32 $0xFFFFE003, lr  }
0x1b: {  	s9 =	sadd.s32 $0xFFFFFEF7, lr;
	s5 =	simm.s32 $0xFFFFFFFF;
	p2 =	slt.u32 s8, $0xFFFFF086  }
0x1c: {  	p1 =	slt.u32 s9, $0xF7A;
	s5 =	simm.s32 @!p2 $0x0  }
0x1d: {  	s5 =	simm.s32 @p1 $0x1;
	p0 =	seq.s32 s7, s2  }
0x1e: {  	s7 =	smul.u32 @!p0 $0xF7A, s2;
	p2 =	seq.s32 @!p0 s5, $0x0  }
0x1f: {  	s9 =	smul.u32 $0xF7A, s1;
	s8 =	simm.s32 @!p0 $0x1BF5;
	p2 =	por !p2, p0  }
0x20: {  	[sflag:s8] =	ssyncset.s32 @!p0 $0xFFFFF086;
	s6 =	sadd.s32 @!p0 s3, s7;
	s7 =	simm.s32 @!p0 $0x108  }
0x21: {  	s3 =	sadd.s32 s3, s9;
	s6 =	sadd.s32 @!p0 $0x88, s6;
	s7 =	simm.s32 @p2 $0x1082  }
0x22: {  	[simem:s7], [sflag:s8] =	dma.local @!p0 [hbm:s6], $0xF7A  }
0x23: {  	s9 =	sor.u32 $0xD0000000, s2;
	s6 =	simm.s32 $0x108;
	_ =	swait.ge @!p0 [sflag:s8], $0x0  }
0x24: {  	s3 =	sadd.s32 $0x88, s3;
	s6 =	simm.s32 @!p1 $0x1082;
	[sflag:s4] =	ssyncset.s32 $0xFFFFF086  }
0x25: {  	[simem:s6], [sflag:s4] =	dma.local [hbm:s3], $0xF7A  }
0x26: {  	[smem:$0x3F9F] =	sst s1;
	(tag) =	ssettag s2;
	_ =	strace s9  }
0x27: {  	s1 =	sld [smem:$0x3FAF]  }
0x28: {  	s2 =	sld [smem:$0x3FB0]  }
0x29: {  	s4 =	sld [smem:$0x3FB2]  }
0x2a: {  	p0 =	seq.s32 s5, $0x0;
	s5 =	sld [smem:$0x3FB3]  }
0x2b: {  	s6 =	sld [smem:$0x3FB4]  }
0x2c: {  	s7 =	sld [smem:$0x3FB5]  }
0x2d: {  	s3 =	simm.s32 $0x108;
	s8 =	sld [smem:$0x3FB6]  }
0x2e: {  	s3 =	simm.s32 @!p0 $0x1082;
	s9 =	sld [smem:$0x3FB7]  }
0x2f: {  	lr =	sadd.s32 s0, s3;
	s0 =	sld [smem:$0x3FAE]  }
0x30: {  	s3 =	sld [smem:$0x3FB1]  }
0x31: {  	[smem:$0x3FBA] =	sst s10  }
0x32: {  	s10 =	sld [smem:$0x3FB8];
	_ =	sdelay $0x3  }
0x33: {  	p0 =	seq.s32 s10, $0x1;
	s10 =	sld [smem:$0x3FBA];
	_ =	sdelay $0x3  }
0x34: {  	[smem:$0x3FBA] =	sst s10  }
0x35: {  	s10 =	sld [smem:$0x3FB9];
	_ =	sdelay $0x3  }
0x36: {  	p1 =	seq.s32 s10, $0x1;
	s10 =	sld [smem:$0x3FBA];
	_ =	sdelay $0x3  }
0x37: {  	[smem:$0x3FBA] =	sst s10  }
0x38: {  	s10 =	sld [smem:$0x3FBB]  }
0x39: {  	_ = 	snop;
	(pc) =	sbr.ind lr, $3  }
0x3a: {  	_ = 	snop  }
0x3b: {  	_ = 	snop  }
0x3c: {  	p2 =	seq.s32 s10, $0x1;
	s10 =	sld [smem:$0x3FBA]  }
0x3d: {  	_ =	shalt  }
0x3e: {  	_ =	shalt  }
0x3f: {  	_ =	shalt  }
0x40: {  	_ =	shalt  }
0x41: {  	_ =	shalt  }
0x42: {  	_ =	shalt  }
0x43: {  	_ =	shalt  }
0x44: {  	_ =	shalt  }
0x45: {  	_ =	shalt  }
0x46: {  	_ =	shalt  }
0x47: {  	_ =	shalt  }
0x48: {  	_ =	shalt  }
0x49: {  	_ =	shalt  }
0x4a: {  	_ =	shalt  }
0x4b: {  	_ =	shalt  }
0x4c: {  	_ =	shalt  }
0x4d: {  	_ =	shalt  }
0x4e: {  	_ =	shalt  }
0x4f: {  	_ =	shalt  }
0x50: {  	_ =	shalt  }
0x51: {  	_ =	shalt  }
0x52: {  	_ =	shalt  }
0x53: {  	_ =	shalt  }
0x54: {  	_ =	shalt  }
0x55: {  	_ =	shalt  }
0x56: {  	_ =	shalt  }
0x57: {  	_ =	shalt  }
0x58: {  	_ =	shalt  }
0x59: {  	_ =	shalt  }
0x5a: {  	_ =	shalt  }
0x5b: {  	_ =	shalt  }
0x5c: {  	_ =	shalt  }
0x5d: {  	_ =	shalt  }
0x5e: {  	_ =	shalt  }
0x5f: {  	_ =	shalt  }
0x60: {  	_ =	shalt  }
0x61: {  	_ =	shalt  }
0x62: {  	_ =	shalt  }
0x63: {  	_ =	shalt  }
0x64: {  	_ =	shalt  }
0x65: {  	_ =	shalt  }
0x66: {  	_ =	shalt  }
0x67: {  	_ =	shalt  }
0x68: {  	_ =	shalt  }
0x69: {  	_ =	shalt  }
0x6a: {  	_ =	shalt  }
0x6b: {  	_ =	shalt  }
0x6c: {  	_ =	shalt  }
0x6d: {  	_ =	shalt  }
0x6e: {  	_ =	shalt  }
0x6f: {  	_ =	shalt  }
0x70: {  	_ =	shalt  }
0x71: {  	_ =	shalt  }
0x72: {  	_ =	shalt  }
0x73: {  	_ =	shalt  }
0x74: {  	_ =	shalt  }
0x75: {  	_ =	shalt  }
0x76: {  	_ =	shalt  }
0x77: {  	_ =	shalt  }
0x78: {  	_ =	shalt  }
0x79: {  	_ =	shalt  }
0x7a: {  	_ =	shalt  }
0x7b: {  	_ =	shalt  }
0x7c: {  	_ =	shalt  }
0x7d: {  	_ =	shalt  }
0x7e: {  	_ =	shalt  }
0x7f: {  	_ =	shalt  }
0x80: {  	_ =	shalt  }
0x81: {  	_ =	shalt  }
0x82: {  	_ =	shalt  }
0x83: {  	_ =	shalt  }
0x84: {  	_ =	shalt  }
0x85: {  	_ =	shalt  }
0x86: {  	_ =	shalt  }
0x87: {  	_ =	shalt  }
.Lfunc_end0:
.L_simem_size_0:
called_computation_lowered:
.L_overlay_start_0:
0x88: {  	s2 =	sld [smem:$0x3FD9]  }
0x89: {  	s3 =	sld [smem:$0x3FFE];
	_ =	sdelay $0x1  }
0x8a: {  	s1 =	srdreg.scid  }
0x8b: {  	s0 =	sand.u32 $0x1, s1  }
0x8c: {  	s17 =	sshll.u32 s0, $0xA;
	s2 =	sadd.s32 s3, s2  }
0x8d: {  	s2 =	sadd.s32 s2, s17  }
0x8e: {  	[smem:$0x3FC6] =	sst s2  }
0x8f: {  	_ = 	snop  }
0x90: {  	s2 =	sld [smem:$0x3FC8]  }
0x91: {  	s18 =	sld [smem:$0x3FD0];
	(tm) =	ssettm $0x1  }
0x92: {  	s4 =	sld [smem:$0x3FFB];
	_ =	sdelay $0x3  }
0x93: {  	_ =	strace s4  }
0x94: {  	s4 =	sld [smem:$0x3FFC];
	_ =	sdelay $0x3  }
0x95: {  	_ =	strace s4  }
0x96: {  	s4 =	sld [smem:$0x3FFD];
	_ =	sdelay $0x3  }
0x97: {  	_ =	strace s4  }
0x98: {  	_ =	strace $0x8FFFFFFF  }
0x99: {  	s19 =	sld [smem:$0x3FDB];
	_ =	sdelay $0x1  }
0x9a: {  	s5 =	simm.s32 $_scs_section_size  }
0x9b: {  	s6 =	simm.s32 $_size__tile_overlayer_lowered;
	s7 =	simm.s32 $_tile_overlayer_lowered  }
0x9c: {  	s22 =	simm.s32 $0x1BFF;
	s21 =	sshll.u32 s7, $0x1;
	s4 =	sadd.s32 s5, s19  }
0x9d: {  	s8 =	simm.s32 $0x0;
	s20 =	sshll.u32 s6, $0x1;
	s6 =	sadd.s32 s21, s4  }
0x9e: {  	[timem:s8], [sflag:s22] =	dma.local [hbm:s6], s20  }
0x9f: {  	_ =	swait.ge [sflag:s22], s20  }
0xa0: {  	s5 =	ssub.s32 $0x0, s20;
	[sflag:s22] =	ssyncset.done $0x0  }
0xa1: {  	[sflag:s22] =	ssyncadd.s32 s5;
	_ =	sdelay $0x1  }
0xa2: {  	s23 =	simm.s32 $0x1B8B  }
0xa3: {  	_ =	swait.ge [sflag:s23], $0x1  }
0xa4: {  	[sflag:s23] =	ssyncset.done $0x0  }
0xa5: {  	s25 =	simm.s32 $0x1B8E;
	s24 =	sld [smem:$0x3FFE];
	[sflag:s23] =	ssyncadd.s32 $0xFFFFFFFF  }
0xa6: {  	s26 =	simm.s32 $execute0_lowered;
	[smem:$0x3FD2] =	sst s25  }
0xa7: {  	s6 =	sshll.u32 s26, $0x1;
	_ =	strace $0x80000046;
	[dreg:$0x1] =	wrdreg $0xFFFFFFFF  }
0xa8: {  	s28 =	simm.s32 $_size_execute0_lowered;
	s4 =	sadd.s32 s4, s6;
	[dreg:$0x0] =	wrdreg $0x0  }
0xa9: {  	s6 =	sshll.u32 s28, $0x1;
	[dreg:$0x2] =	wrdreg s4  }
0xaa: {  	[dreg:$0x3] =	wrdreg s6  }
0xab: {  	[dreg:$0x4] =	wrdreg $0xC0  }
0xac: {  	_ =	task [dreg:s8], $0x5FFFF  }
0xad: {  	[dreg:$0x1] =	wrdreg $0xFFFFFFFF  }
0xae: {  	[dreg:$0x0] =	wrdreg $0x60  }
0xaf: {  	[dreg:$0x2] =	wrdreg s2  }
0xb0: {  	[dreg:$0x3] =	wrdreg s24  }
0xb1: {  	[dreg:$0x4] =	wrdreg s18  }
0xb2: {  	[dreg:$0x5] =	wrdreg $0x9  }
0xb3: {  	_ =	task.clear_ibuf [dreg:s8], $0x6FFFF;
	_ =	strace $0x90000046  }
0xb4: {  	s29 =	simm.s32 $0x9;
	_ =	strace $0x80000048  }
0xb5: {  	_ =	swait.ge [sflag:s29], $0x1  }
0xb6: {  	[sflag:s29] =	ssyncadd.s32 $0xFFFFFFFF  }
0xb7: {  	_ =	strace $0x90000048  }
0xb8: {  	_ =	sfence  }
0xb9: {  	s30 =	sld [smem:$0x0];
	_ =	sdelay $0x2  }
0xba: {  	s31 =	sshll.u32 s1, $0xD;
	s1 =	sshrl.u32 s1, $0x2  }
0xbb: {  	s3 =	sand.u32 $0x4000, s31;
	s1 =	sadd.s32 s1, s30  }
0xbc: {  	s0 =	sor.u32 s3, s0;
	s1 =	sshll.u32 s1, $0x11  }
0xbd: {  	s0 =	sor.u32 s1, s0  }
0xbe: {  	s0 =	sadd.s32 $0x8F2B, s0  }
0xbf: {  	[sflag:s0] =	ssyncadd.remote.s32 $0x1  }
0xc0: {  	_ =	sfence.sel $0xFFFF  }
0xc1: {  	[dreg:$0x0] =	wrdreg $0xFFFFFFFF;
	(pc) =	sbr.abs _section_cstart, $3  }
0xc2: {  	[dreg:$0x1] =	wrdreg $0xFFFFFFFF  }
0xc3: {  	_ =	task.clear_ibuf [dreg:s8], $0x2FFFF;
	_ =	strace $0x9FFFFFFF  }
0xc4: {  	(tm) =	ssettm $0x7FFFFFFF  }
0xc5: {  	_ =	shalt  }
tec
execute0_lowered:
.L_overlay_start_1:
0x0: {  	(tag) =	ssettag $0x1  }
0x1: {  	s1 =	rddreg [dreg:$0x0]  }
0x2: {  	s2 =	srdreg.scid;
	s0 =	stileid.u32  }
0x3: {  	s4 =	rddreg [dreg:$0x1];
	s2 =	sand.u32 $0x1, s2;
	s3 =	sshll.u32 s0, $0x1  }
0x4: {  	s5 =	rddreg [dreg:$0x2];
	s6 =	sor.u32 s2, s3;
	s3 =	simm.s32 $0x0  }
0x5: {  	s24 =	simm.s32 $0x980;
	[smem:$0x7FF] =	sst s3  }
0x6: {  	s25 =	simm.s32 $0xD80;
	_ =	strace $0x80000047;
	[dreg:$0x6] =	wrdreg s24  }
0x7: {  	s26 =	simm.s32 $0x1580;
	[dreg:$0x7] =	wrdreg s25  }
0x8: {  	s0 =	simm.s32 $0x1980;
	[dreg:$0x8] =	wrdreg s26  }
0x9: {  	s8 =	simm.s32 $0x3180;
	[dreg:$0x9] =	wrdreg s0  }
0xa: {  	s9 =	simm.s32 $0x3980;
	[dreg:$0xd] =	wrdreg s8  }
0xb: {  	s10 =	simm.s32 $0x3D80;
	[dreg:$0xe] =	wrdreg s9  }
0xc: {  	s11 =	simm.s32 $0x4580;
	[dreg:$0xf] =	wrdreg s10  }
0xd: {  	s12 =	simm.s32 $0x4980;
	[dreg:$0x10] =	wrdreg s11  }
0xe: {  	s13 =	simm.s32 $0x5180;
	[dreg:$0x11] =	wrdreg s12  }
0xf: {  	s14 =	simm.s32 $0x5580;
	[dreg:$0x12] =	wrdreg s13  }
0x10: {  	s15 =	simm.s32 $0x5D80;
	[dreg:$0x13] =	wrdreg s14  }
0x11: {  	s16 =	simm.s32 $0x6180;
	[dreg:$0x14] =	wrdreg s15  }
0x12: {  	s17 =	simm.s32 $0x6980;
	[dreg:$0x15] =	wrdreg s16  }
0x13: {  	s18 =	simm.s32 $0x6D80;
	[dreg:$0x16] =	wrdreg s17  }
0x14: {  	s19 =	simm.s32 $0x7580;
	[dreg:$0x17] =	wrdreg s18  }
0x15: {  	s20 =	simm.s32 $0x7980;
	[dreg:$0x18] =	wrdreg s19  }
0x16: {  	s21 =	simm.s32 $0x8180;
	[dreg:$0x19] =	wrdreg s20  }
0x17: {  	s22 =	simm.s32 $0x8580;
	[dreg:$0x1a] =	wrdreg s21  }
0x18: {  	[dreg:$0x1b] =	wrdreg s22;
	s24 =	simm.s32 $0x9180  }
0x19: {  	s25 =	simm.s32 $0x9980;
	[dreg:$0x1d] =	wrdreg s24  }
0x1a: {  	s26 =	simm.s32 $0x9D80;
	[dreg:$0x1e] =	wrdreg s25  }
0x1b: {  	s0 =	simm.s32 $0xA580;
	[dreg:$0x1f] =	wrdreg s26  }
0x1c: {  	s8 =	simm.s32 $0xBD80;
	[smem:$0x7E8] =	sst s0  }
0x1d: {  	s9 =	simm.s32 $0xC180;
	[smem:$0x7EC] =	sst s8  }
0x1e: {  	s10 =	simm.s32 $0xC980;
	[smem:$0x7ED] =	sst s9  }
0x1f: {  	s28 =	simm.s32 $0x19980;
	s11 =	simm.s32 $0xCD80;
	[smem:$0x7EE] =	sst s10  }
0x20: {  	s29 =	simm.s32 $0x1A180;
	s12 =	simm.s32 $0xD580;
	[smem:$0x7EF] =	sst s11  }
0x21: {  	s30 =	simm.s32 $0x1A580;
	s13 =	simm.s32 $0xD980;
	[smem:$0x7F0] =	sst s12  }
0x22: {  	s31 =	simm.s32 $0x1AD80;
	s14 =	simm.s32 $0xE180;
	[smem:$0x7F1] =	sst s13  }
0x23: {  	s2 =	ssub.s32 $0x2, s2;
	s15 =	simm.s32 $0xE580;
	[smem:$0x7F2] =	sst s14  }
0x24: {  	s7 =	smul.u32 $0x24, s6;
	s16 =	simm.s32 $0xED80;
	[smem:$0x7F3] =	sst s15  }
0x25: {  	s6 =	smul.u32 $0x3600, s6;
	s17 =	simm.s32 $0xF180;
	[smem:$0x7F4] =	sst s16  }
0x26: {  	s18 =	simm.s32 $0xF980;
	s19 =	simm.s32 $0xFD80;
	[smem:$0x7F5] =	sst s17  }
0x27: {  	s20 =	simm.s32 $0x10580;
	s21 =	simm.s32 $0x10980;
	[smem:$0x7F6] =	sst s18  }
0x28: {  	s22 =	sshrl.u32 s2, $0x1;
	s4 =	sadd.s32 s4, s7;
	[smem:$0x7F7] =	sst s19  }
0x29: {  	s23 =	sadd.s32 s5, s6;
	s5 =	simm.s32 $0x2180;
	[smem:$0x7F8] =	sst s20  }
0x2a: {  	s6 =	simm.s32 $0x2580;
	s7 =	simm.s32 $0x2D80;
	[smem:$0x7F9] =	sst s21  }
0x2b: {  	s2 =	ssub.s32 s2, s22;
	s24 =	simm.s32 $0x11580;
	s25 =	simm.s32 $0x11D80  }
0x2c: {  	s26 =	simm.s32 $0x12180;
	s9 =	simm.s32 $0x12D80;
	[dreg:$0x4] =	wrdreg s4  }
0x2d: {  	s10 =	simm.s32 $0x13580;
	s11 =	simm.s32 $0x13980;
	[dreg:$0x5] =	wrdreg s23  }
0x2e: {  	s12 =	simm.s32 $0x14180;
	s13 =	simm.s32 $0x14580;
	[dreg:$0xa] =	wrdreg s5  }
0x2f: {  	s14 =	simm.s32 $0x14D80;
	s15 =	simm.s32 $0x15180;
	[dreg:$0xb] =	wrdreg s6  }
0x30: {  	s16 =	simm.s32 $0x15980;
	s17 =	simm.s32 $0x15D80;
	[dreg:$0xc] =	wrdreg s7  }
0x31: {  	s18 =	simm.s32 $0x16580;
	s19 =	simm.s32 $0x16980;
	[smem:$0x7FB] =	sst s24  }
0x32: {  	s20 =	simm.s32 $0x17180;
	s21 =	simm.s32 $0x17580;
	[smem:$0x7FC] =	sst s25  }
0x33: {  	s22 =	simm.s32 $0x17D80;
	s23 =	simm.s32 $0x8D80;
	[smem:$0x7FD] =	sst s26  }
0x34: {  	s5 =	simm.s32 $0xA980;
	s6 =	simm.s32 $0xB180;
	[dreg:$0x1c] =	wrdreg s23  }
0x35: {  	s7 =	simm.s32 $0xB580;
	s4 =	sadd.s32 $0x100, s1;
	[smem:$0x7E9] =	sst s5  }
0x36: {  	s24 =	simm.s32 $0x18980;
	s25 =	simm.s32 $0x18D80;
	[smem:$0x7EA] =	sst s6  }
0x37: {  	v2 =	vlaneseq.u32;
	s26 =	simm.s32 $0x19580;
	[smem:$0x7EB] =	sst s7;
	s23 =	simm.s32 $0x11180  }
0x38: {  	vm0 =	vmmov $0xffff;
	vm1 =	vmmov $0xff;
	v1 =	vshrl.u32 v2, $0x3;
	s5 =	smax.u32 s2, $0x1;
	s6 =	simm.s32 $0x2;
	s7 =	simm.s32 $0x180  }
0x39: {  	v0 =	vand.u32 $0x7, v2;
	v2 =	vor.u32 $0x8, v2;
	v1 =	vmul.u32 $0x8, v1;
	s2 =	simm.s32 $0x1;
	[smem:$0x7FA] =	sst s23;
	s23 =	simm.s32 $0x18180  }
.LBB2_1:
0x3a: {  	s0 =	rddreg [dreg:$0x4]  }
0x3b: {  	[tilespmem:s3], [sflag:$0x2] =	stream.linear.gather [hbm4b:s0+s3], $0x120, $0x38;
	[tilespmem:$0x1B180] =	vst v63  }
0x3c: {  	_ =	swait.ge [sflag:s6], $0x120  }
0x3d: {  	[sflag:s6] =	ssyncset.done $0x0  }
0x3e: {  	[sflag:s6] =	ssyncadd.s32 $0xFFFFFEE0  }
0x3f: {  	v3 =	vld [tilespmem:$0x0];
	_ =	sdelay $0x4  }
0x40: {  	v4 =	vshrl.u32 v3, $0x3  }
0x41: {  	v4 =	vmul.u32 $0x18, v4  }
0x42: {  	v3 =	vand.u32 $0x7, v3  }
0x43: {  	v3 =	vor.u32 v3, v4  }
0x44: {  	v4 =	vperm.xlane v3, v0;
	_ =	sdelay $0x1  }
0x45: {  	v4 =	vadd.s32 v1, v4;
	_ =	sdelay $0x1  }
0x46: {  	v3 =	vperm.xlane v3, v2;
	_ =	sdelay $0x1  }
0x47: {  	v3 =	vadd.s32 v1, v3  }
0x48: {  	[tilespmem:s7], [sflag:$0x1] =	stream.indirect_vreg.gather [hbm4b:s1+s3], $0x80, v4, vm0, $0xb8;
	[tilespmem:$0x1B180] =	vst v63  }
0x49: {  	s0 =	rddreg [dreg:$0x6]  }
0x4a: {  	[tilespmem:s0], [sflag:$0x1] =	stream.indirect_vreg.gather [hbm4b:s4+s3], $0x80, v4, vm1, $0xb8;
	[tilespmem:$0x1B180] =	vst v63  }
0x4b: {  	s8 =	rddreg [dreg:$0x7]  }
0x4c: {  	[tilespmem:s8], [sflag:$0x1] =	stream.indirect_vreg.gather [hbm4b:s1+s3], $0x80, v3, vm0, $0xb8;
	[tilespmem:$0x1B180] =	vst v63  }
0x4d: {  	s0 =	rddreg [dreg:$0x8]  }
0x4e: {  	[tilespmem:s0], [sflag:$0x1] =	stream.indirect_vreg.gather [hbm4b:s4+s3], $0x80, v3, vm1, $0xb8;
	[tilespmem:$0x1B180] =	vst v63  }
0x4f: {  	v3 =	vld [tilespmem:$0x10];
	_ =	sdelay $0x4  }
0x50: {  	v47 =	vshrl.u32 v3, $0x3  }
0x51: {  	v4 =	vmul.u32 $0x18, v47  }
0x52: {  	v3 =	vand.u32 $0x7, v3  }
0x53: {  	v3 =	vor.u32 v3, v4  }
0x54: {  	v4 =	vperm.xlane v3, v0;
	_ =	sdelay $0x1  }
0x55: {  	v4 =	vadd.s32 v1, v4;
	_ =	sdelay $0x1  }
0x56: {  	v3 =	vperm.xlane v3, v2;
	_ =	sdelay $0x1  }
0x57: {  	s0 =	rddreg [dreg:$0x9];
	v3 =	vadd.s32 v1, v3  }
0x58: {  	[tilespmem:s0], [sflag:$0x1] =	stream.indirect_vreg.gather [hbm4b:s1+s3], $0x80, v4, vm0, $0xb8;
	[tilespmem:$0x1B180] =	vst v63  }
0x59: {  	s8 =	rddreg [dreg:$0xa]  }
0x5a: {  	[tilespmem:s8], [sflag:$0x1] =	stream.indirect_vreg.gather [hbm4b:s4+s3], $0x80, v4, vm1, $0xb8;
	[tilespmem:$0x1B180] =	vst v63  }
0x5b: {  	s0 =	rddreg [dreg:$0xb]  }
0x5c: {  	[tilespmem:s0], [sflag:$0x1] =	stream.indirect_vreg.gather [hbm4b:s1+s3], $0x80, v3, vm0, $0xb8;
	[tilespmem:$0x1B180] =	vst v63  }
0x5d: {  	s8 =	rddreg [dreg:$0xc]  }
0x5e: {  	[tilespmem:s8], [sflag:$0x1] =	stream.indirect_vreg.gather [hbm4b:s4+s3], $0x80, v3, vm1, $0xb8;
	[tilespmem:$0x1B180] =	vst v63  }
0x5f: {  	v3 =	vld [tilespmem:$0x20];
	_ =	sdelay $0x4  }
0x60: {  	v48 =	vshrl.u32 v3, $0x3  }
0x61: {  	v4 =	vmul.u32 $0x18, v48  }
0x62: {  	v3 =	vand.u32 $0x7, v3  }
0x63: {  	v3 =	vor.u32 v3, v4  }
0x64: {  	v4 =	vperm.xlane v3, v0;
	_ =	sdelay $0x1  }
0x65: {  	v4 =	vadd.s32 v1, v4;
	_ =	sdelay $0x1  }
0x66: {  	v3 =	vperm.xlane v3, v2;
	_ =	sdelay $0x1  }
0x67: {  	s0 =	rddreg [dreg:$0xd];
	v3 =	vadd.s32 v1, v3  }
0x68: {  	[tilespmem:s0], [sflag:$0x1] =	stream.indirect_vreg.gather [hbm4b:s1+s3], $0x80, v4, vm0, $0xb8;
	[tilespmem:$0x1B180] =	vst v63  }
0x69: {  	s8 =	rddreg [dreg:$0xe]  }
0x6a: {  	[tilespmem:s8], [sflag:$0x1] =	stream.indirect_vreg.gather [hbm4b:s4+s3], $0x80, v4, vm1, $0xb8;
	[tilespmem:$0x1B180] =	vst v63  }
0x6b: {  	s0 =	rddreg [dreg:$0xf]  }
0x6c: {  	[tilespmem:s0], [sflag:$0x1] =	stream.indirect_vreg.gather [hbm4b:s1+s3], $0x80, v3, vm0, $0xb8;
	[tilespmem:$0x1B180] =	vst v63  }
0x6d: {  	s8 =	rddreg [dreg:$0x10]  }
0x6e: {  	[tilespmem:s8], [sflag:$0x1] =	stream.indirect_vreg.gather [hbm4b:s4+s3], $0x80, v3, vm1, $0xb8;
	[tilespmem:$0x1B180] =	vst v63  }
0x6f: {  	v3 =	vld [tilespmem:$0x30];
	_ =	sdelay $0x4  }
0x70: {  	v49 =	vshrl.u32 v3, $0x3  }
0x71: {  	v4 =	vmul.u32 $0x18, v49  }
0x72: {  	v3 =	vand.u32 $0x7, v3  }
0x73: {  	v3 =	vor.u32 v3, v4  }
0x74: {  	v4 =	vperm.xlane v3, v0;
	_ =	sdelay $0x1  }
0x75: {  	v4 =	vadd.s32 v1, v4;
	_ =	sdelay $0x1  }
0x76: {  	v3 =	vperm.xlane v3, v2;
	_ =	sdelay $0x1  }
0x77: {  	s0 =	rddreg [dreg:$0x11];
	v3 =	vadd.s32 v1, v3  }
0x78: {  	[tilespmem:s0], [sflag:$0x1] =	stream.indirect_vreg.gather [hbm4b:s1+s3], $0x80, v4, vm0, $0xb8;
	[tilespmem:$0x1B180] =	vst v63  }
0x79: {  	s8 =	rddreg [dreg:$0x12]  }
0x7a: {  	[tilespmem:s8], [sflag:$0x1] =	stream.indirect_vreg.gather [hbm4b:s4+s3], $0x80, v4, vm1, $0xb8;
	[tilespmem:$0x1B180] =	vst v63  }
0x7b: {  	s0 =	rddreg [dreg:$0x13]  }
0x7c: {  	[tilespmem:s0], [sflag:$0x1] =	stream.indirect_vreg.gather [hbm4b:s1+s3], $0x80, v3, vm0, $0xb8;
	[tilespmem:$0x1B180] =	vst v63  }
0x7d: {  	s8 =	rddreg [dreg:$0x14]  }
0x7e: {  	[tilespmem:s8], [sflag:$0x1] =	stream.indirect_vreg.gather [hbm4b:s4+s3], $0x80, v3, vm1, $0xb8;
	[tilespmem:$0x1B180] =	vst v63  }
0x7f: {  	v3 =	vld [tilespmem:$0x40];
	_ =	sdelay $0x4  }
0x80: {  	v50 =	vshrl.u32 v3, $0x3  }
0x81: {  	v4 =	vmul.u32 $0x18, v50  }
0x82: {  	v3 =	vand.u32 $0x7, v3  }
0x83: {  	v3 =	vor.u32 v3, v4  }
0x84: {  	v4 =	vperm.xlane v3, v0;
	_ =	sdelay $0x1  }
0x85: {  	v4 =	vadd.s32 v1, v4;
	_ =	sdelay $0x1  }
0x86: {  	v3 =	vperm.xlane v3, v2;
	_ =	sdelay $0x1  }
0x87: {  	s0 =	rddreg [dreg:$0x15];
	v3 =	vadd.s32 v1, v3  }
0x88: {  	[tilespmem:s0], [sflag:$0x1] =	stream.indirect_vreg.gather [hbm4b:s1+s3], $0x80, v4, vm0, $0xb8;
	[tilespmem:$0x1B180] =	vst v63  }
0x89: {  	s8 =	rddreg [dreg:$0x16]  }
0x8a: {  	[tilespmem:s8], [sflag:$0x1] =	stream.indirect_vreg.gather [hbm4b:s4+s3], $0x80, v4, vm1, $0xb8;
	[tilespmem:$0x1B180] =	vst v63  }
0x8b: {  	s0 =	rddreg [dreg:$0x17]  }
0x8c: {  	[tilespmem:s0], [sflag:$0x1] =	stream.indirect_vreg.gather [hbm4b:s1+s3], $0x80, v3, vm0, $0xb8;
	[tilespmem:$0x1B180] =	vst v63  }
0x8d: {  	s8 =	rddreg [dreg:$0x18]  }
0x8e: {  	[tilespmem:s8], [sflag:$0x1] =	stream.indirect_vreg.gather [hbm4b:s4+s3], $0x80, v3, vm1, $0xb8;
	[tilespmem:$0x1B180] =	vst v63  }
0x8f: {  	v3 =	vld [tilespmem:$0x50];
	_ =	sdelay $0x4  }
0x90: {  	v51 =	vshrl.u32 v3, $0x3  }
0x91: {  	v4 =	vmul.u32 $0x18, v51  }
0x92: {  	v3 =	vand.u32 $0x7, v3  }
0x93: {  	v3 =	vor.u32 v3, v4  }
0x94: {  	v4 =	vperm.xlane v3, v0;
	_ =	sdelay $0x1  }
0x95: {  	v4 =	vadd.s32 v1, v4;
	_ =	sdelay $0x1  }
0x96: {  	v3 =	vperm.xlane v3, v2;
	_ =	sdelay $0x1  }
0x97: {  	s0 =	rddreg [dreg:$0x19];
	v3 =	vadd.s32 v1, v3  }
0x98: {  	[tilespmem:s0], [sflag:$0x1] =	stream.indirect_vreg.gather [hbm4b:s1+s3], $0x80, v4, vm0, $0xb8;
	[tilespmem:$0x1B180] =	vst v63  }
0x99: {  	s8 =	rddreg [dreg:$0x1a]  }
0x9a: {  	[tilespmem:s8], [sflag:$0x1] =	stream.indirect_vreg.gather [hbm4b:s4+s3], $0x80, v4, vm1, $0xb8;
	[tilespmem:$0x1B180] =	vst v63  }
0x9b: {  	s0 =	rddreg [dreg:$0x1b]  }
0x9c: {  	[tilespmem:s0], [sflag:$0x1] =	stream.indirect_vreg.gather [hbm4b:s1+s3], $0x80, v3, vm0, $0xb8;
	[tilespmem:$0x1B180] =	vst v63  }
0x9d: {  	s8 =	rddreg [dreg:$0x1c]  }
0x9e: {  	[tilespmem:s8], [sflag:$0x1] =	stream.indirect_vreg.gather [hbm4b:s4+s3], $0x80, v3, vm1, $0xb8;
	[tilespmem:$0x1B180] =	vst v63  }
0x9f: {  	v3 =	vld [tilespmem:$0x60];
	_ =	sdelay $0x4  }
0xa0: {  	v52 =	vshrl.u32 v3, $0x3  }
0xa1: {  	v4 =	vmul.u32 $0x18, v52  }
0xa2: {  	v3 =	vand.u32 $0x7, v3  }
0xa3: {  	v3 =	vor.u32 v3, v4  }
0xa4: {  	v4 =	vperm.xlane v3, v0;
	_ =	sdelay $0x1  }
0xa5: {  	v4 =	vadd.s32 v1, v4;
	_ =	sdelay $0x1  }
0xa6: {  	v3 =	vperm.xlane v3, v2  }
0xa7: {  	s0 =	rddreg [dreg:$0x1d]  }
0xa8: {  	s8 =	rddreg [dreg:$0x1e];
	v3 =	vadd.s32 v1, v3  }
0xa9: {  	[tilespmem:s0], [sflag:$0x1] =	stream.indirect_vreg.gather [hbm4b:s1+s3], $0x80, v4, vm0, $0xb8;
	[tilespmem:$0x1B180] =	vst v63  }
0xaa: {  	s0 =	rddreg [dreg:$0x1f]  }
0xab: {  	[tilespmem:s8], [sflag:$0x1] =	stream.indirect_vreg.gather [hbm4b:s4+s3], $0x80, v4, vm1, $0xb8;
	[tilespmem:$0x1B180] =	vst v63  }
0xac: {  	s8 =	sld [smem:$0x7E8]  }
0xad: {  	[tilespmem:s0], [sflag:$0x1] =	stream.indirect_vreg.gather [hbm4b:s1+s3], $0x80, v3, vm0, $0xb8;
	[tilespmem:$0x1B180] =	vst v63  }
0xae: {  	_ = 	snop  }
0xaf: {  	[tilespmem:s8], [sflag:$0x1] =	stream.indirect_vreg.gather [hbm4b:s4+s3], $0x80, v3, vm1, $0xb8;
	[tilespmem:$0x1B180] =	vst v63  }
0xb0: {  	v3 =	vld [tilespmem:$0x70];
	_ =	sdelay $0x4  }
0xb1: {  	v53 =	vshrl.u32 v3, $0x3  }
0xb2: {  	v4 =	vmul.u32 $0x18, v53  }
0xb3: {  	v3 =	vand.u32 $0x7, v3  }
0xb4: {  	v3 =	vor.u32 v3, v4  }
0xb5: {  	v4 =	vperm.xlane v3, v0;
	_ =	sdelay $0x1  }
0xb6: {  	v4 =	vadd.s32 v1, v4;
	_ =	sdelay $0x1  }
0xb7: {  	s0 =	sld [smem:$0x7E9];
	v3 =	vperm.xlane v3, v2;
	_ =	sdelay $0x1  }
0xb8: {  	s8 =	sld [smem:$0x7EA];
	v3 =	vadd.s32 v1, v3  }
0xb9: {  	[tilespmem:s0], [sflag:$0x1] =	stream.indirect_vreg.gather [hbm4b:s1+s3], $0x80, v4, vm0, $0xb8;
	[tilespmem:$0x1B180] =	vst v63  }
0xba: {  	s0 =	sld [smem:$0x7EB]  }
0xbb: {  	[tilespmem:s8], [sflag:$0x1] =	stream.indirect_vreg.gather [hbm4b:s4+s3], $0x80, v4, vm1, $0xb8;
	[tilespmem:$0x1B180] =	vst v63  }
0xbc: {  	s8 =	sld [smem:$0x7EC]  }
0xbd: {  	[tilespmem:s0], [sflag:$0x1] =	stream.indirect_vreg.gather [hbm4b:s1+s3], $0x80, v3, vm0, $0xb8;
	[tilespmem:$0x1B180] =	vst v63  }
0xbe: {  	_ = 	snop  }
0xbf: {  	[tilespmem:s8], [sflag:$0x1] =	stream.indirect_vreg.gather [hbm4b:s4+s3], $0x80, v3, vm1, $0xb8;
	[tilespmem:$0x1B180] =	vst v63  }
0xc0: {  	v3 =	vld [tilespmem:$0x80];
	_ =	sdelay $0x4  }
0xc1: {  	v54 =	vshrl.u32 v3, $0x3  }
0xc2: {  	v4 =	vmul.u32 $0x18, v54  }
0xc3: {  	v3 =	vand.u32 $0x7, v3  }
0xc4: {  	v3 =	vor.u32 v3, v4  }
0xc5: {  	v4 =	vperm.xlane v3, v0;
	_ =	sdelay $0x1  }
0xc6: {  	v4 =	vadd.s32 v1, v4;
	_ =	sdelay $0x1  }
0xc7: {  	s0 =	sld [smem:$0x7ED];
	v3 =	vperm.xlane v3, v2;
	_ =	sdelay $0x1  }
0xc8: {  	s8 =	sld [smem:$0x7EE];
	v3 =	vadd.s32 v1, v3  }
0xc9: {  	[tilespmem:s0], [sflag:$0x1] =	stream.indirect_vreg.gather [hbm4b:s1+s3], $0x80, v4, vm0, $0xb8;
	[tilespmem:$0x1B180] =	vst v63  }
0xca: {  	s0 =	sld [smem:$0x7EF]  }
0xcb: {  	[tilespmem:s8], [sflag:$0x1] =	stream.indirect_vreg.gather [hbm4b:s4+s3], $0x80, v4, vm1, $0xb8;
	[tilespmem:$0x1B180] =	vst v63  }
0xcc: {  	s8 =	sld [smem:$0x7F0]  }
0xcd: {  	[tilespmem:s0], [sflag:$0x1] =	stream.indirect_vreg.gather [hbm4b:s1+s3], $0x80, v3, vm0, $0xb8;
	[tilespmem:$0x1B180] =	vst v63  }
0xce: {  	_ = 	snop  }
0xcf: {  	[tilespmem:s8], [sflag:$0x1] =	stream.indirect_vreg.gather [hbm4b:s4+s3], $0x80, v3, vm1, $0xb8;
	[tilespmem:$0x1B180] =	vst v63  }
0xd0: {  	v3 =	vld [tilespmem:$0x90];
	_ =	sdelay $0x4  }
0xd1: {  	v55 =	vshrl.u32 v3, $0x3  }
0xd2: {  	v4 =	vmul.u32 $0x18, v55  }
0xd3: {  	v3 =	vand.u32 $0x7, v3  }
0xd4: {  	v3 =	vor.u32 v3, v4  }
0xd5: {  	v4 =	vperm.xlane v3, v0;
	_ =	sdelay $0x1  }
0xd6: {  	v4 =	vadd.s32 v1, v4;
	_ =	sdelay $0x1  }
0xd7: {  	s0 =	sld [smem:$0x7F1];
	v3 =	vperm.xlane v3, v2;
	_ =	sdelay $0x1  }
0xd8: {  	s8 =	sld [smem:$0x7F2];
	v3 =	vadd.s32 v1, v3  }
0xd9: {  	[tilespmem:s0], [sflag:$0x1] =	stream.indirect_vreg.gather [hbm4b:s1+s3], $0x80, v4, vm0, $0xb8;
	[tilespmem:$0x1B180] =	vst v63  }
0xda: {  	s0 =	sld [smem:$0x7F3]  }
0xdb: {  	[tilespmem:s8], [sflag:$0x1] =	stream.indirect_vreg.gather [hbm4b:s4+s3], $0x80, v4, vm1, $0xb8;
	[tilespmem:$0x1B180] =	vst v63  }
0xdc: {  	s8 =	sld [smem:$0x7F4]  }
0xdd: {  	[tilespmem:s0], [sflag:$0x1] =	stream.indirect_vreg.gather [hbm4b:s1+s3], $0x80, v3, vm0, $0xb8;
	[tilespmem:$0x1B180] =	vst v63  }
0xde: {  	_ = 	snop  }
0xdf: {  	[tilespmem:s8], [sflag:$0x1] =	stream.indirect_vreg.gather [hbm4b:s4+s3], $0x80, v3, vm1, $0xb8;
	[tilespmem:$0x1B180] =	vst v63  }
0xe0: {  	v3 =	vld [tilespmem:$0xA0];
	_ =	sdelay $0x4  }
0xe1: {  	v56 =	vshrl.u32 v3, $0x3  }
0xe2: {  	v4 =	vmul.u32 $0x18, v56  }
0xe3: {  	v3 =	vand.u32 $0x7, v3  }
0xe4: {  	v3 =	vor.u32 v3, v4  }
0xe5: {  	v4 =	vperm.xlane v3, v0;
	_ =	sdelay $0x1  }
0xe6: {  	v4 =	vadd.s32 v1, v4;
	_ =	sdelay $0x1  }
0xe7: {  	s0 =	sld [smem:$0x7F5];
	v3 =	vperm.xlane v3, v2;
	_ =	sdelay $0x1  }
0xe8: {  	s8 =	sld [smem:$0x7F6];
	v3 =	vadd.s32 v1, v3  }
0xe9: {  	[tilespmem:s0], [sflag:$0x1] =	stream.indirect_vreg.gather [hbm4b:s1+s3], $0x80, v4, vm0, $0xb8;
	[tilespmem:$0x1B180] =	vst v63  }
0xea: {  	s0 =	sld [smem:$0x7F7]  }
0xeb: {  	[tilespmem:s8], [sflag:$0x1] =	stream.indirect_vreg.gather [hbm4b:s4+s3], $0x80, v4, vm1, $0xb8;
	[tilespmem:$0x1B180] =	vst v63  }
0xec: {  	s8 =	sld [smem:$0x7F8]  }
0xed: {  	[tilespmem:s0], [sflag:$0x1] =	stream.indirect_vreg.gather [hbm4b:s1+s3], $0x80, v3, vm0, $0xb8;
	[tilespmem:$0x1B180] =	vst v63  }
0xee: {  	_ = 	snop  }
0xef: {  	[tilespmem:s8], [sflag:$0x1] =	stream.indirect_vreg.gather [hbm4b:s4+s3], $0x80, v3, vm1, $0xb8;
	[tilespmem:$0x1B180] =	vst v63  }
0xf0: {  	v3 =	vld [tilespmem:$0xB0];
	_ =	sdelay $0x4  }
0xf1: {  	v57 =	vshrl.u32 v3, $0x3  }
0xf2: {  	v4 =	vmul.u32 $0x18, v57  }
0xf3: {  	v3 =	vand.u32 $0x7, v3  }
0xf4: {  	v3 =	vor.u32 v3, v4  }
0xf5: {  	v4 =	vperm.xlane v3, v0;
	_ =	sdelay $0x1  }
0xf6: {  	v4 =	vadd.s32 v1, v4;
	_ =	sdelay $0x1  }
0xf7: {  	s0 =	sld [smem:$0x7F9];
	v3 =	vperm.xlane v3, v2;
	_ =	sdelay $0x1  }
0xf8: {  	s8 =	sld [smem:$0x7FA];
	v3 =	vadd.s32 v1, v3  }
0xf9: {  	[tilespmem:s0], [sflag:$0x1] =	stream.indirect_vreg.gather [hbm4b:s1+s3], $0x80, v4, vm0, $0xb8;
	[tilespmem:$0x1B180] =	vst v63  }
0xfa: {  	s0 =	sld [smem:$0x7FB]  }
0xfb: {  	[tilespmem:s8], [sflag:$0x1] =	stream.indirect_vreg.gather [hbm4b:s4+s3], $0x80, v4, vm1, $0xb8;
	[tilespmem:$0x1B180] =	vst v63  }
0xfc: {  	s8 =	sld [smem:$0x7FC]  }
0xfd: {  	[tilespmem:s0], [sflag:$0x1] =	stream.indirect_vreg.gather [hbm4b:s1+s3], $0x80, v3, vm0, $0xb8;
	[tilespmem:$0x1B180] =	vst v63  }
0xfe: {  	_ = 	snop  }
0xff: {  	[tilespmem:s8], [sflag:$0x1] =	stream.indirect_vreg.gather [hbm4b:s4+s3], $0x80, v3, vm1, $0xb8;
	[tilespmem:$0x1B180] =	vst v63  }
0x100: {  	v3 =	vld [tilespmem:$0xC0];
	_ =	sdelay $0x4  }
0x101: {  	v58 =	vshrl.u32 v3, $0x3  }
0x102: {  	v4 =	vmul.u32 $0x18, v58  }
0x103: {  	v3 =	vand.u32 $0x7, v3  }
0x104: {  	v3 =	vor.u32 v3, v4  }
0x105: {  	v4 =	vperm.xlane v3, v0;
	_ =	sdelay $0x1  }
0x106: {  	v4 =	vadd.s32 v1, v4;
	_ =	sdelay $0x1  }
0x107: {  	s8 =	sld [smem:$0x7FD];
	v3 =	vperm.xlane v3, v2;
	_ =	sdelay $0x1  }
0x108: {  	v3 =	vadd.s32 v1, v3  }
0x109: {  	[tilespmem:s8], [sflag:$0x1] =	stream.indirect_vreg.gather [hbm4b:s1+s3], $0x80, v4, vm0, $0xb8;
	[tilespmem:$0x1B180] =	vst v63  }
0x10a: {  	s8 =	simm.s32 $0x12980  }
0x10b: {  	[tilespmem:s8], [sflag:$0x1] =	stream.indirect_vreg.gather [hbm4b:s4+s3], $0x80, v4, vm1, $0xb8;
	[tilespmem:$0x1B180] =	vst v63  }
0x10c: {  	_ = 	snop  }
0x10d: {  	[tilespmem:s9], [sflag:$0x1] =	stream.indirect_vreg.gather [hbm4b:s1+s3], $0x80, v3, vm0, $0xb8;
	[tilespmem:$0x1B180] =	vst v63  }
0x10e: {  	_ = 	snop  }
0x10f: {  	[tilespmem:s10], [sflag:$0x1] =	stream.indirect_vreg.gather [hbm4b:s4+s3], $0x80, v3, vm1, $0xb8;
	[tilespmem:$0x1B180] =	vst v63  }
0x110: {  	v3 =	vld [tilespmem:$0xD0];
	_ =	sdelay $0x4  }
0x111: {  	v59 =	vshrl.u32 v3, $0x3  }
0x112: {  	v4 =	vmul.u32 $0x18, v59  }
0x113: {  	v3 =	vand.u32 $0x7, v3  }
0x114: {  	v3 =	vor.u32 v3, v4  }
0x115: {  	v4 =	vperm.xlane v3, v0;
	_ =	sdelay $0x1  }
0x116: {  	v4 =	vadd.s32 v1, v4;
	_ =	sdelay $0x1  }
0x117: {  	v3 =	vperm.xlane v3, v2;
	_ =	sdelay $0x1  }
0x118: {  	v3 =	vadd.s32 v1, v3  }
0x119: {  	[tilespmem:s11], [sflag:$0x1] =	stream.indirect_vreg.gather [hbm4b:s1+s3], $0x80, v4, vm0, $0xb8;
	[tilespmem:$0x1B180] =	vst v63  }
0x11a: {  	_ = 	snop  }
0x11b: {  	[tilespmem:s12], [sflag:$0x1] =	stream.indirect_vreg.gather [hbm4b:s4+s3], $0x80, v4, vm1, $0xb8;
	[tilespmem:$0x1B180] =	vst v63  }
0x11c: {  	_ = 	snop  }
0x11d: {  	[tilespmem:s13], [sflag:$0x1] =	stream.indirect_vreg.gather [hbm4b:s1+s3], $0x80, v3, vm0, $0xb8;
	[tilespmem:$0x1B180] =	vst v63  }
0x11e: {  	_ = 	snop  }
0x11f: {  	[tilespmem:s14], [sflag:$0x1] =	stream.indirect_vreg.gather [hbm4b:s4+s3], $0x80, v3, vm1, $0xb8;
	[tilespmem:$0x1B180] =	vst v63  }
0x120: {  	v3 =	vld [tilespmem:$0xE0];
	_ =	sdelay $0x4  }
0x121: {  	v60 =	vshrl.u32 v3, $0x3  }
0x122: {  	v4 =	vmul.u32 $0x18, v60  }
0x123: {  	v3 =	vand.u32 $0x7, v3  }
0x124: {  	v3 =	vor.u32 v3, v4  }
0x125: {  	v4 =	vperm.xlane v3, v0;
	_ =	sdelay $0x1  }
0x126: {  	v4 =	vadd.s32 v1, v4;
	_ =	sdelay $0x1  }
0x127: {  	v3 =	vperm.xlane v3, v2;
	_ =	sdelay $0x1  }
0x128: {  	v3 =	vadd.s32 v1, v3  }
0x129: {  	[tilespmem:s15], [sflag:$0x1] =	stream.indirect_vreg.gather [hbm4b:s1+s3], $0x80, v4, vm0, $0xb8;
	[tilespmem:$0x1B180] =	vst v63  }
0x12a: {  	_ = 	snop  }
0x12b: {  	[tilespmem:s16], [sflag:$0x1] =	stream.indirect_vreg.gather [hbm4b:s4+s3], $0x80, v4, vm1, $0xb8;
	[tilespmem:$0x1B180] =	vst v63  }
0x12c: {  	_ = 	snop  }
0x12d: {  	[tilespmem:s17], [sflag:$0x1] =	stream.indirect_vreg.gather [hbm4b:s1+s3], $0x80, v3, vm0, $0xb8;
	[tilespmem:$0x1B180] =	vst v63  }
0x12e: {  	_ = 	snop  }
0x12f: {  	[tilespmem:s18], [sflag:$0x1] =	stream.indirect_vreg.gather [hbm4b:s4+s3], $0x80, v3, vm1, $0xb8;
	[tilespmem:$0x1B180] =	vst v63  }
0x130: {  	v3 =	vld [tilespmem:$0xF0];
	_ =	sdelay $0x4  }
0x131: {  	v61 =	vshrl.u32 v3, $0x3  }
0x132: {  	v4 =	vmul.u32 $0x18, v61  }
0x133: {  	v3 =	vand.u32 $0x7, v3  }
0x134: {  	v3 =	vor.u32 v3, v4  }
0x135: {  	v4 =	vperm.xlane v3, v0;
	_ =	sdelay $0x1  }
0x136: {  	v4 =	vadd.s32 v1, v4;
	_ =	sdelay $0x1  }
0x137: {  	v3 =	vperm.xlane v3, v2;
	_ =	sdelay $0x1  }
0x138: {  	v3 =	vadd.s32 v1, v3  }
0x139: {  	[tilespmem:s19], [sflag:$0x1] =	stream.indirect_vreg.gather [hbm4b:s1+s3], $0x80, v4, vm0, $0xb8;
	[tilespmem:$0x1B180] =	vst v63  }
0x13a: {  	_ = 	snop  }
0x13b: {  	[tilespmem:s20], [sflag:$0x1] =	stream.indirect_vreg.gather [hbm4b:s4+s3], $0x80, v4, vm1, $0xb8;
	[tilespmem:$0x1B180] =	vst v63  }
0x13c: {  	_ = 	snop  }
0x13d: {  	[tilespmem:s21], [sflag:$0x1] =	stream.indirect_vreg.gather [hbm4b:s1+s3], $0x80, v3, vm0, $0xb8;
	[tilespmem:$0x1B180] =	vst v63  }
0x13e: {  	_ = 	snop  }
0x13f: {  	[tilespmem:s22], [sflag:$0x1] =	stream.indirect_vreg.gather [hbm4b:s4+s3], $0x80, v3, vm1, $0xb8;
	[tilespmem:$0x1B180] =	vst v63  }
0x140: {  	v3 =	vld [tilespmem:$0x100];
	_ =	sdelay $0x4  }
0x141: {  	v62 =	vshrl.u32 v3, $0x3  }
0x142: {  	v4 =	vmul.u32 $0x18, v62  }
0x143: {  	v3 =	vand.u32 $0x7, v3  }
0x144: {  	v3 =	vor.u32 v3, v4  }
0x145: {  	v4 =	vperm.xlane v3, v0;
	_ =	sdelay $0x1  }
0x146: {  	v4 =	vadd.s32 v1, v4;
	_ =	sdelay $0x1  }
0x147: {  	v3 =	vperm.xlane v3, v2;
	_ =	sdelay $0x1  }
0x148: {  	v3 =	vadd.s32 v1, v3  }
0x149: {  	[tilespmem:s23], [sflag:$0x1] =	stream.indirect_vreg.gather [hbm4b:s1+s3], $0x80, v4, vm0, $0xb8;
	[tilespmem:$0x1B180] =	vst v63  }
0x14a: {  	_ = 	snop  }
0x14b: {  	[tilespmem:s24], [sflag:$0x1] =	stream.indirect_vreg.gather [hbm4b:s4+s3], $0x80, v4, vm1, $0xb8;
	[tilespmem:$0x1B180] =	vst v63  }
0x14c: {  	_ = 	snop  }
0x14d: {  	[tilespmem:s25], [sflag:$0x1] =	stream.indirect_vreg.gather [hbm4b:s1+s3], $0x80, v3, vm0, $0xb8;
	[tilespmem:$0x1B180] =	vst v63  }
0x14e: {  	_ = 	snop  }
0x14f: {  	[tilespmem:s26], [sflag:$0x1] =	stream.indirect_vreg.gather [hbm4b:s4+s3], $0x80, v3, vm1, $0xb8;
	[tilespmem:$0x1B180] =	vst v63  }
0x150: {  	v3 =	vld [tilespmem:$0x110];
	_ =	sdelay $0x4  }
0x151: {  	v63 =	vshrl.u32 v3, $0x3  }
0x152: {  	v4 =	vmul.u32 $0x18, v63  }
0x153: {  	v3 =	vand.u32 $0x7, v3  }
0x154: {  	v3 =	vor.u32 v3, v4  }
0x155: {  	v4 =	vperm.xlane v3, v0;
	_ =	sdelay $0x1  }
0x156: {  	v4 =	vadd.s32 v1, v4;
	_ =	sdelay $0x1  }
0x157: {  	v3 =	vperm.xlane v3, v2;
	_ =	sdelay $0x1  }
0x158: {  	v3 =	vadd.s32 v1, v3  }
0x159: {  	[tilespmem:s28], [sflag:$0x1] =	stream.indirect_vreg.gather [hbm4b:s1+s3], $0x80, v4, vm0, $0xb8;
	[tilespmem:$0x1B180] =	vst v63  }
0x15a: {  	_ = 	snop  }
0x15b: {  	[tilespmem:s29], [sflag:$0x1] =	stream.indirect_vreg.gather [hbm4b:s4+s3], $0x80, v4, vm1, $0xb8;
	[tilespmem:$0x1B180] =	vst v63  }
0x15c: {  	_ = 	snop  }
0x15d: {  	[tilespmem:s30], [sflag:$0x1] =	stream.indirect_vreg.gather [hbm4b:s1+s3], $0x80, v3, vm0, $0xb8;
	[tilespmem:$0x1B180] =	vst v63  }
0x15e: {  	_ = 	snop  }
0x15f: {  	[tilespmem:s31], [sflag:$0x1] =	stream.indirect_vreg.gather [hbm4b:s4+s3], $0x80, v3, vm1, $0xb8;
	[tilespmem:$0x1B180] =	vst v63  }
0x160: {  	_ =	swait.ge [sflag:s2], $0x9000  }
0x161: {  	[sflag:s2] =	ssyncset.done $0x0  }
0x162: {  	[sflag:s2] =	ssyncadd.s32 $0xFFFF7000  }
0x163: {  	_ =	swait.ge [sflag:s2], $0x9000  }
0x164: {  	[sflag:s2] =	ssyncset.done $0x0  }
0x165: {  	[sflag:s2] =	ssyncadd.s32 $0xFFFF7000  }
0x166: {  	_ =	swait.ge [sflag:s2], $0x9000  }
0x167: {  	p0 =	sne.s32 s5, $0x1;
	[sflag:s2] =	ssyncset.done $0x0  }
.Ltmp0:
0x168: {  	s8 =	rddreg [dreg:$0x5];
	[sflag:s2] =	ssyncadd.s32 $0xFFFF7000;
	(pc) =	sbr.rel @p0 .LBB2_1-.Ltmp0, $4  }
0x169: {  	[hbm4b:s8+s3] =	stream.linear.scatter [tilespmem:s7], [sflag:$0x2], $0x1B000, $0x38;
	[tilespmem:$0x1B180] =	vst v63  }
0x16a: {  	_ =	swait.ge [sflag:s6], $0x1B000  }
0x16b: {  	[sflag:s6] =	ssyncset.done $0x0  }
0x16c: {  	s5 =	sadd.s32 $0xFFFFFFFF, s5;
	[sflag:s6] =	ssyncadd.s32 $0xFFFE5000  }
0x16d: {  	_ =	sfence.sel $0x180000  }
0x16e: {  	[bflag:$0x0] =	sbarrier.arrive $0xFFFF  }
0x16f: {  	_ =	strace $0x90000047  }
0x170: {  	s0 =	stileid.u32;
	[bflag:$0x2] =	sbarrier.arrive $0xFFFF  }
0x171: {  	p0 =	sne.s32 s0, $0x0;
	s0 =	rddreg [dreg:$0x3]  }
0x172: {  	s0 =	sadd.s32 @!p0 $0x100000, s0  }
0x173: {  	[sflag:s0] =	ssyncadd.tile.s32 @!p0 $0x1;
	_ =	shalt  }
.Lfunc_end2:
_tile_overlayer_lowered:
.L_overlay_start_2:
0x174: {  	(tag) =	ssettag $0x2  }
0x175: {  	s0 =	rddreg [dreg:$0x0];
	s2 =	stileid.u32  }
0x176: {  	s1 =	rddreg [dreg:$0x1];
	p0 =	sne.s32 s2, $0x0  }
0x177: {  	s3 =	rddreg [dreg:$0x2];
	[bflag:$0x3] =	sbarrier.arrive $0xFFFF;
	s2 =	simm.s32 @!p0 $0x1C02  }
0x178: {  	[timem:s3], [sflag:s2] =	dma.local @!p0 [hbm:s0], s1  }
0x179: {  	s0 =	simm.s32 @!p0 $0x2  }
0x17a: {  	_ =	swait.ge @!p0 [sflag:s0], s1  }
0x17b: {  	s1 =	ssub.s32 @!p0 $0x0, s1;
	[sflag:s0] =	ssyncset.done @!p0 $0x0  }
0x17c: {  	[sflag:s0] =	ssyncadd.s32 @!p0 s1  }
0x17d: {  	[bflag:$0x3] =	sbarrier.arrive $0xFFFF  }
0x17e: {  	_ =	shalt  }

</sc_bundles>
